<compile_context>
chip_gen: v7x
topology: tpu7x:2x2x1
jax: 0.10.2.dev20260603
libtpu: 0.0.44.dev20260713+nightly
codegen_flags: <defaults>
</compile_context>

<pallas_src>
import jax
import jax.numpy as jnp
from jax import lax
from jax.experimental import pallas as pl
from jax.experimental.pallas import tpu as pltpu
import jax.experimental.pallas.tpu_sc as plsc

N = 10000
E = 320000
HID = 8

NC = 2
NS = 16
NW = NC * NS
COL_SPLIT = HID
EDGE_SPLIT = NW // COL_SPLIT
E_PER_W = E // EDGE_SPLIT
CHUNK = 10000
N_CHUNKS = E_PER_W // CHUNK
UNROLL = 5
assert CHUNK % (16 * UNROLL) == 0
NF = N * HID


def _dense_body(res_in, ops_in, wres, wop, a_self, c_res, c_ops,
                p_out, ops_out, rs_out, os_out, sself_out):
    dn = (((1,), (1,)), ((), ()))
    res_t = lax.dot_general(wres[...].astype(jnp.bfloat16),
                            res_in[...].astype(jnp.bfloat16), dn,
                            preferred_element_type=jnp.float32)
    ops_t = lax.dot_general(wop[...].astype(jnp.bfloat16),
                            ops_in[...].astype(jnp.bfloat16), dn,
                            preferred_element_type=jnp.float32)
    ops_out[...] = ops_t
    res_tb = res_t.astype(jnp.bfloat16).astype(jnp.float32)
    ops_tb = ops_t.astype(jnp.bfloat16).astype(jnp.float32)
    rs_out[...] = jnp.sum(res_tb * c_res[...], axis=0, keepdims=True)
    os_out[...] = jnp.sum(ops_tb * c_ops[...], axis=0, keepdims=True)
    sl = jnp.sum(res_tb * a_self[...], axis=0, keepdims=True)
    sl = jnp.where(sl > 0, sl, sl * 0.2)
    self_num = jnp.exp(sl)
    p_out[...] = res_t * self_num
    sself_out[...] = jnp.sum(self_num).reshape(1, 1)


def _edge_body(src_ids, dst_ids, rs_flat, os_flat, ops_flat, zeros_n,
               acc_out, wsum_out,
               rs_v, os_v, opsc_v, acc_v, src_v, dst_v, w_v, wsum_v, w_sp):
    c = lax.axis_index("c")
    s = lax.axis_index("s")
    eg = 2 * c + (s & 1)
    cg = s >> 1
    wid = eg * COL_SPLIT + cg
    ebase = eg * E_PER_W
    sp_base = (eg & 1) * E_PER_W

    pltpu.sync_copy(rs_flat, rs_v)
    pltpu.sync_copy(os_flat, os_v)
    pltpu.sync_copy(ops_flat.at[pl.ds(cg * N, N)], opsc_v)
    pltpu.sync_copy(zeros_n, acc_v)

    p1off = ebase + cg * CHUNK
    pltpu.sync_copy(src_ids.at[pl.ds(p1off, CHUNK)], src_v)
    pltpu.sync_copy(dst_ids.at[pl.ds(p1off, CHUNK)], dst_v)

    def stepw(i, wacc):
        base = i * (16 * UNROLL)
        ws = []
        for u in range(UNROLL):
            s16 = src_v[pl.ds(base + u * 16, 16)]
            d16 = dst_v[pl.ds(base + u * 16, 16)]
            l = (plsc.load_gather(rs_v, [d16])
                 + plsc.load_gather(os_v, [s16]))
            l = jnp.where(l > 0, l, l * 0.2)
            w = jnp.exp(l)
            w_v[pl.ds(base + u * 16, 16)] = w
            ws.append(w)
        return wacc + (((ws[0] + ws[1]) + (ws[2] + ws[3])) + ws[4])

    wsum = lax.fori_loop(0, CHUNK // (16 * UNROLL), stepw,
                         jnp.zeros((16,), jnp.float32))
    wsum_v[...] = wsum
    pltpu.sync_copy(w_v, w_sp.at[pl.ds(sp_base + cg * CHUNK, CHUNK)])
    plsc.subcore_barrier()

    for ci in range(N_CHUNKS):
        coff = ebase + ci * CHUNK
        pltpu.sync_copy(src_ids.at[pl.ds(coff, CHUNK)], src_v)
        pltpu.sync_copy(dst_ids.at[pl.ds(coff, CHUNK)], dst_v)
        pltpu.sync_copy(w_sp.at[pl.ds(sp_base + ci * CHUNK, CHUNK)], w_v)

        def step2(i, carry):
            base = i * (16 * UNROLL)
            for u in range(UNROLL):
                s16 = src_v[pl.ds(base + u * 16, 16)]
                d16 = dst_v[pl.ds(base + u * 16, 16)]
                w16 = w_v[pl.ds(base + u * 16, 16)]
                contrib = w16 * plsc.load_gather(opsc_v, [s16])
                plsc.addupdate_scatter(acc_v, [d16], contrib)
            return carry

        lax.fori_loop(0, CHUNK // (16 * UNROLL), step2, 0)

    pltpu.sync_copy(acc_v, acc_out.at[pl.ds(eg * NF + cg * N, N)])
    pltpu.sync_copy(wsum_v, wsum_out.at[pl.ds(wid * 16, 16)])


def _final_body(p2, acc2, wsum2, sself, out2):
    z = sself[...] + jnp.sum(wsum2[...]).reshape(1, 1)
    acc = acc2[0]
    for eg in range(1, EDGE_SPLIT):
        acc = acc + acc2[eg]
    x = (p2[...] + acc) / z
    out2[...] = jnp.where(x > 0, x, jnp.exp(x) - 1.0)


@jax.jit
def kernel(resources, operations, requirement_edges, W_res, W_op,
           att_self_coef, att_coef):
    edges = requirement_edges.astype(jnp.int32)

    def bf(x):
        return x.astype(jnp.bfloat16).astype(jnp.float32)

    a_self = bf(att_self_coef[:HID]) + bf(att_self_coef[HID:])
    c_res = bf(att_coef[:HID])
    c_ops = bf(att_coef[HID:])

    f32 = jnp.float32
    p_t, ops_t, rs_row, os_row, sself = pl.pallas_call(
        _dense_body,
        out_shape=[
            jax.ShapeDtypeStruct((HID, N), f32),
            jax.ShapeDtypeStruct((HID, N), f32),
            jax.ShapeDtypeStruct((1, N), f32),
            jax.ShapeDtypeStruct((1, N), f32),
            jax.ShapeDtypeStruct((1, 1), f32),
        ],
    )(resources, operations, W_res, W_op, a_self, c_res, c_ops)

    edge_k = pl.kernel(
        _edge_body,
        out_type=[
            jax.ShapeDtypeStruct((EDGE_SPLIT * NF,), f32),
            jax.ShapeDtypeStruct((NW * 16,), f32),
        ],
        mesh=plsc.VectorSubcoreMesh(core_axis_name="c", subcore_axis_name="s"),
        compiler_params=pltpu.CompilerParams(needs_layout_passes=False),
        scratch_types=[
            pltpu.VMEM((N,), f32),
            pltpu.VMEM((N,), f32),
            pltpu.VMEM((N,), f32),
            pltpu.VMEM((N,), f32),
            pltpu.VMEM((CHUNK,), jnp.int32),
            pltpu.VMEM((CHUNK,), jnp.int32),
            pltpu.VMEM((CHUNK,), f32),
            pltpu.VMEM((16,), f32),
            pltpu.VMEM_SHARED((2 * E_PER_W,), f32),
        ],
    )
    acc_parts, wsum_parts = edge_k(
        edges[0], edges[1], rs_row.reshape(-1), os_row.reshape(-1),
        ops_t.reshape(-1), jnp.zeros((N,), f32))

    out2 = pl.pallas_call(
        _final_body,
        out_shape=jax.ShapeDtypeStruct((NF // 128, 128), f32),
    )(p_t.reshape(NF // 128, 128), acc_parts.reshape(EDGE_SPLIT, NF // 128, 128),
      wsum_parts.reshape(4, 128), sself)
    return out2.reshape(HID, N).T

# --- scband reference (transcript-rebuilt; emitter-appended) ---
"""Pipeline reference for scband-resource-attention-embedding-layer-71683004171057 (READ-ONLY COPY).

The authoritative reference and input builder live on the scoring server;
editing this copy changes nothing except your own understanding.
"""

import jax, jax.numpy as jnp
import numpy as np

N_RES = 10000
N_OPS = 10000
E = 320000
D_RES = 128
D_OPS = 128
HID = 8


def setup_inputs(seed: int = 0) -> dict:
    key = jax.random.key(seed)
    k1, k2, k3, k4, k5, k6, k7 = jax.random.split(key, 7)
    resources = jax.random.normal(k1, (N_RES, D_RES), dtype=jnp.float32)
    operations = jax.random.normal(k2, (N_OPS, D_OPS), dtype=jnp.float32)
    requirement_edges = jax.random.randint(k3, (2, E), 0, N_RES, dtype=jnp.int64)
    # learned parameters (torch Linear weight is [out, in]; xavier-like scale)
    W_res = jax.random.normal(k4, (HID, D_RES), dtype=jnp.float32) * (1.414 * np.sqrt(2.0 / (D_RES + HID)))
    W_op = jax.random.normal(k5, (HID, D_OPS), dtype=jnp.float32) * (1.414 * np.sqrt(2.0 / (D_OPS + HID)))
    att_self_coef = jax.random.normal(k6, (2 * HID, 1), dtype=jnp.float32) * (1.414 * np.sqrt(2.0 / (2 * HID + 1)))
    att_coef = jax.random.normal(k7, (2 * HID, 1), dtype=jnp.float32) * (1.414 * np.sqrt(2.0 / (2 * HID + 1)))
    return {
        "resources": resources,
        "operations": operations,
        "requirement_edges": requirement_edges,
        "W_res": W_res,
        "W_op": W_op,
        "att_self_coef": att_self_coef,
        "att_coef": att_coef,
    }


def reference(resources, operations, requirement_edges, W_res, W_op, att_self_coef, att_coef):
    res = resources @ W_res.T
    ops = operations @ W_op.T
    ops_by_edges = jnp.take(ops, requirement_edges[0], axis=0)
    res_by_edges = jnp.take(res, requirement_edges[1], axis=0)
    self_attention = jax.nn.leaky_relu(
        jnp.concatenate([res, res], axis=-1) @ att_self_coef, negative_slope=0.2
    )
    cross_attention = jax.nn.leaky_relu(
        jnp.concatenate([res_by_edges, ops_by_edges], axis=-1) @ att_coef, negative_slope=0.2
    )
    normalizer = jax.nn.softmax(jnp.concatenate([self_attention, cross_attention], axis=0), axis=0)
    n = self_attention.shape[0]
    norm_self_attention = normalizer[:n]
    norm_cross_attention = normalizer[n:]
    weighted_ops_by_edges = norm_cross_attention * ops_by_edges
    sum_ops_by_edges = jnp.zeros_like(res).at[requirement_edges[1]].add(weighted_ops_by_edges)
    embedding = jax.nn.elu(norm_self_attention * res + sum_ops_by_edges)
    return embedding

if __name__ == "__main__":
    import jax
    _d = setup_inputs()
    print(jax.jit(kernel)(*tuple(_d.values())))

</pallas_src>

<mosaic_0001>
#map = affine_map<(d0, d1) -> (0)>
module attributes {stable_mosaic.version = 14 : i64} {
  func.func @_edge_body(%arg0: i32, %arg1: i32, %arg2: memref<320000xi32, #tpu.memory_space<hbm>>, %arg3: memref<320000xi32, #tpu.memory_space<hbm>>, %arg4: memref<10000xf32, #tpu.memory_space<hbm>>, %arg5: memref<10000xf32, #tpu.memory_space<hbm>>, %arg6: memref<80000xf32, #tpu.memory_space<hbm>>, %arg7: memref<10000xf32, #tpu.memory_space<hbm>>, %arg8: memref<320000xf32, #tpu.memory_space<hbm>>, %arg9: memref<512xf32, #tpu.memory_space<hbm>>, %arg10: memref<10000xf32, #tpu.memory_space<vmem>>, %arg11: memref<10000xf32, #tpu.memory_space<vmem>>, %arg12: memref<10000xf32, #tpu.memory_space<vmem>>, %arg13: memref<10000xf32, #tpu.memory_space<vmem>>, %arg14: memref<10000xi32, #tpu.memory_space<vmem>>, %arg15: memref<10000xi32, #tpu.memory_space<vmem>>, %arg16: memref<10000xf32, #tpu.memory_space<vmem>>, %arg17: memref<16xf32, #tpu.memory_space<vmem>>, %arg18: memref<160000xf32, #tpu.memory_space<vmem_shared>>) attributes {dimension_semantics = [#tpu.dimension_semantics<core_parallel>, #tpu.dimension_semantics<subcore_parallel>], iteration_bounds = array<i64: 2, 16>, scalar_prefetch = 0 : i64, scratch_operands = 9 : i64, tpu.core_type = #tpu.core_type<sc_vector_subcore>, window_params = [{transform_indices = #map}, {transform_indices = #map}, {transform_indices = #map}, {transform_indices = #map}, {transform_indices = #map}, {transform_indices = #map}, {transform_indices = #map}, {transform_indices = #map}]} {
    %mul3A = arith.constant 2 : i32
    %mul3A_0 = arith.muli %mul3A, %arg0 : i32
    %and3A = arith.constant 1 : i32
    %and3A_1 = arith.andi %arg1, %and3A : i32
    %add3A = arith.addi %mul3A_0, %and3A_1 : i32
    %shift_right_arithmetic3A = arith.constant 1 : i32
    %shift_right_arithmetic3A_2 = arith.shrsi %arg1, %shift_right_arithmetic3A : i32
    %mul3A_3 = arith.constant 8 : i32
    %mul3A_4 = arith.muli %add3A, %mul3A_3 : i32
    %add3A_5 = arith.addi %mul3A_4, %shift_right_arithmetic3A_2 : i32
    %mul3A_6 = arith.constant 80000 : i32
    %mul3A_7 = arith.muli %add3A, %mul3A_6 : i32
    %and3A_8 = arith.constant 1 : i32
    %and3A_9 = arith.andi %add3A, %and3A_8 : i32
    %mul3A_10 = arith.constant 80000 : i32
    %mul3A_11 = arith.muli %and3A_9, %mul3A_10 : i32
    "tpu.region"() ({
      %run_scoped3A = tpu.sem_alloc : memref<!tpu.dma_semaphore, #tpu.memory_space<semaphore_mem>>
      tpu.enqueue_dma source(%arg4 : memref<10000xf32, #tpu.memory_space<hbm>>) target(%arg10 : memref<10000xf32, #tpu.memory_space<vmem>>) target_semaphore(%run_scoped3A : memref<!tpu.dma_semaphore, #tpu.memory_space<semaphore_mem>>)
      tpu.wait_dma2 semaphore(%run_scoped3A : memref<!tpu.dma_semaphore, #tpu.memory_space<semaphore_mem>>) src(%arg4 : memref<10000xf32, #tpu.memory_space<hbm>>) dst(%arg10 : memref<10000xf32, #tpu.memory_space<vmem>>)
      tpu.yield
    }) : () -> ()
    "tpu.region"() ({
      %run_scoped3A = tpu.sem_alloc : memref<!tpu.dma_semaphore, #tpu.memory_space<semaphore_mem>>
      tpu.enqueue_dma source(%arg5 : memref<10000xf32, #tpu.memory_space<hbm>>) target(%arg11 : memref<10000xf32, #tpu.memory_space<vmem>>) target_semaphore(%run_scoped3A : memref<!tpu.dma_semaphore, #tpu.memory_space<semaphore_mem>>)
      tpu.wait_dma2 semaphore(%run_scoped3A : memref<!tpu.dma_semaphore, #tpu.memory_space<semaphore_mem>>) src(%arg5 : memref<10000xf32, #tpu.memory_space<hbm>>) dst(%arg11 : memref<10000xf32, #tpu.memory_space<vmem>>)
      tpu.yield
    }) : () -> ()
    %mul3A_12 = arith.constant 10000 : i32
    %mul3A_13 = arith.muli %shift_right_arithmetic3A_2, %mul3A_12 : i32
    "tpu.region"() ({
      %run_scoped3A = tpu.sem_alloc : memref<!tpu.dma_semaphore, #tpu.memory_space<semaphore_mem>>
      %dma_start3A = tpu.memref_slice %arg6[%mul3A_13] : memref<80000xf32, #tpu.memory_space<hbm>> -> memref<10000xf32, #tpu.memory_space<hbm>>
      %dma_start3A_114 = tpu.memref_slice %arg6[%mul3A_13] : memref<80000xf32, #tpu.memory_space<hbm>> -> memref<10000xf32, #tpu.memory_space<hbm>>
      tpu.enqueue_dma source(%dma_start3A_114 : memref<10000xf32, #tpu.memory_space<hbm>>) target(%arg12 : memref<10000xf32, #tpu.memory_space<vmem>>) target_semaphore(%run_scoped3A : memref<!tpu.dma_semaphore, #tpu.memory_space<semaphore_mem>>)
      %dma_wait3A = tpu.memref_slice %arg6[%mul3A_13] : memref<80000xf32, #tpu.memory_space<hbm>> -> memref<10000xf32, #tpu.memory_space<hbm>>
      %dma_wait3A_115 = tpu.memref_slice %arg6[%mul3A_13] : memref<80000xf32, #tpu.memory_space<hbm>> -> memref<10000xf32, #tpu.memory_space<hbm>>
      tpu.wait_dma2 semaphore(%run_scoped3A : memref<!tpu.dma_semaphore, #tpu.memory_space<semaphore_mem>>) src(%dma_wait3A_115 : memref<10000xf32, #tpu.memory_space<hbm>>) dst(%arg12 : memref<10000xf32, #tpu.memory_space<vmem>>)
      tpu.yield
    }) : () -> ()
    "tpu.region"() ({
      %run_scoped3A = tpu.sem_alloc : memref<!tpu.dma_semaphore, #tpu.memory_space<semaphore_mem>>
      tpu.enqueue_dma source(%arg7 : memref<10000xf32, #tpu.memory_space<hbm>>) target(%arg13 : memref<10000xf32, #tpu.memory_space<vmem>>) target_semaphore(%run_scoped3A : memref<!tpu.dma_semaphore, #tpu.memory_space<semaphore_mem>>)
      tpu.wait_dma2 semaphore(%run_scoped3A : memref<!tpu.dma_semaphore, #tpu.memory_space<semaphore_mem>>) src(%arg7 : memref<10000xf32, #tpu.memory_space<hbm>>) dst(%arg13 : memref<10000xf32, #tpu.memory_space<vmem>>)
      tpu.yield
    }) : () -> ()
    %mul3A_14 = arith.constant 10000 : i32
    %mul3A_15 = arith.muli %shift_right_arithmetic3A_2, %mul3A_14 : i32
    %add3A_16 = arith.addi %mul3A_7, %mul3A_15 : i32
    "tpu.region"() ({
      %run_scoped3A = tpu.sem_alloc : memref<!tpu.dma_semaphore, #tpu.memory_space<semaphore_mem>>
      %dma_start3A = tpu.memref_slice %arg2[%add3A_16] : memref<320000xi32, #tpu.memory_space<hbm>> -> memref<10000xi32, #tpu.memory_space<hbm>>
      %dma_start3A_114 = tpu.memref_slice %arg2[%add3A_16] : memref<320000xi32, #tpu.memory_space<hbm>> -> memref<10000xi32, #tpu.memory_space<hbm>>
      tpu.enqueue_dma source(%dma_start3A_114 : memref<10000xi32, #tpu.memory_space<hbm>>) target(%arg14 : memref<10000xi32, #tpu.memory_space<vmem>>) target_semaphore(%run_scoped3A : memref<!tpu.dma_semaphore, #tpu.memory_space<semaphore_mem>>)
      %dma_wait3A = tpu.memref_slice %arg2[%add3A_16] : memref<320000xi32, #tpu.memory_space<hbm>> -> memref<10000xi32, #tpu.memory_space<hbm>>
      %dma_wait3A_115 = tpu.memref_slice %arg2[%add3A_16] : memref<320000xi32, #tpu.memory_space<hbm>> -> memref<10000xi32, #tpu.memory_space<hbm>>
      tpu.wait_dma2 semaphore(%run_scoped3A : memref<!tpu.dma_semaphore, #tpu.memory_space<semaphore_mem>>) src(%dma_wait3A_115 : memref<10000xi32, #tpu.memory_space<hbm>>) dst(%arg14 : memref<10000xi32, #tpu.memory_space<vmem>>)
      tpu.yield
    }) : () -> ()
    "tpu.region"() ({
      %run_scoped3A = tpu.sem_alloc : memref<!tpu.dma_semaphore, #tpu.memory_space<semaphore_mem>>
      %dma_start3A = tpu.memref_slice %arg3[%add3A_16] : memref<320000xi32, #tpu.memory_space<hbm>> -> memref<10000xi32, #tpu.memory_space<hbm>>
      %dma_start3A_114 = tpu.memref_slice %arg3[%add3A_16] : memref<320000xi32, #tpu.memory_space<hbm>> -> memref<10000xi32, #tpu.memory_space<hbm>>
      tpu.enqueue_dma source(%dma_start3A_114 : memref<10000xi32, #tpu.memory_space<hbm>>) target(%arg15 : memref<10000xi32, #tpu.memory_space<vmem>>) target_semaphore(%run_scoped3A : memref<!tpu.dma_semaphore, #tpu.memory_space<semaphore_mem>>)
      %dma_wait3A = tpu.memref_slice %arg3[%add3A_16] : memref<320000xi32, #tpu.memory_space<hbm>> -> memref<10000xi32, #tpu.memory_space<hbm>>
      %dma_wait3A_115 = tpu.memref_slice %arg3[%add3A_16] : memref<320000xi32, #tpu.memory_space<hbm>> -> memref<10000xi32, #tpu.memory_space<hbm>>
      tpu.wait_dma2 semaphore(%run_scoped3A : memref<!tpu.dma_semaphore, #tpu.memory_space<semaphore_mem>>) src(%dma_wait3A_115 : memref<10000xi32, #tpu.memory_space<hbm>>) dst(%arg15 : memref<10000xi32, #tpu.memory_space<vmem>>)
      tpu.yield
    }) : () -> ()
    %broadcast_in_dim3A = arith.constant 0.000000e+00 : f32
    %broadcast_in_dim3A_17 = vector.broadcast %broadcast_in_dim3A : f32 to vector<16xf32>
    %scan3A = arith.constant 0 : i32
    %scan3A_18 = arith.constant 125 : i32
    %scan3A_19 = arith.addi %scan3A, %scan3A_18 : i32
    %scan3A_20 = arith.constant 1 : i32
    %scan3A_21 = scf.for %scan3A_114 = %scan3A to %scan3A_19 step %scan3A_20 iter_args(%scan3A_115 = %broadcast_in_dim3A_17) -> (vector<16xf32>)  : i32 {
      %mul3A_116 = arith.constant 80 : i32
      %mul3A_117 = arith.muli %scan3A_114, %mul3A_116 : i32
      %add3A_118 = arith.constant 0 : i32
      %add3A_119 = arith.addi %mul3A_117, %add3A_118 : i32
      %get3A = arith.index_cast %add3A_119 : i32 to index
      %get3A_120 = tpu.vector_load %arg14[%get3A] {strides = array<i32>} : memref<10000xi32, #tpu.memory_space<vmem>>, vector<16xi32>,
      %add3A_121 = arith.constant 0 : i32
      %add3A_122 = arith.addi %mul3A_117, %add3A_121 : i32
      %get3A_123 = arith.index_cast %add3A_122 : i32 to index
      %get3A_124 = tpu.vector_load %arg15[%get3A_123] {strides = array<i32>} : memref<10000xi32, #tpu.memory_space<vmem>>, vector<16xi32>,
      %gather3A = tpu.vector_load_idx %arg10[%get3A_124] : memref<10000xf32, #tpu.memory_space<vmem>>[vector<16xi32>], vector<16xf32>,
      %gather3A_125 = tpu.vector_load_idx %arg11[%get3A_120] : memref<10000xf32, #tpu.memory_space<vmem>>[vector<16xi32>], vector<16xf32>,
      %add3A_126 = arith.addf %gather3A, %gather3A_125 : vector<16xf32>
      %gt3A = arith.constant 0.000000e+00 : f32
      %gt3A_127 = vector.broadcast %gt3A : f32 to vector<16xf32>
      %gt3A_128 = arith.cmpf ogt, %add3A_126, %gt3A_127 : vector<16xf32>
      %mul3A_129 = arith.constant 2.000000e-01 : f32
      %mul3A_130 = vector.broadcast %mul3A_129 : f32 to vector<16xf32>
      %mul3A_131 = arith.mulf %add3A_126, %mul3A_130 : vector<16xf32>
      %select_n3A = arith.select %gt3A_128, %add3A_126, %mul3A_131 : vector<16xi1>, vector<16xf32>
      %exp3A = math.exp %select_n3A : vector<16xf32>
      %add3A_132 = arith.constant 0 : i32
      %add3A_133 = arith.addi %mul3A_117, %add3A_132 : i32
      %swap3A_134 = arith.index_cast %add3A_133 : i32 to index
      %swap3A_135 = tpu.vector_load %arg16[%swap3A_134] {strides = array<i32>} : memref<10000xf32, #tpu.memory_space<vmem>>, vector<16xf32>,
      tpu.vector_store %arg16[%swap3A_134], %exp3A {strides = array<i32>} : memref<10000xf32, #tpu.memory_space<vmem>>, vector<16xf32>,
      %add3A_136 = arith.constant 16 : i32
      %add3A_137 = arith.addi %mul3A_117, %add3A_136 : i32
      %get3A_138 = arith.index_cast %add3A_137 : i32 to index
      %get3A_139 = tpu.vector_load %arg14[%get3A_138] {strides = array<i32>} : memref<10000xi32, #tpu.memory_space<vmem>>, vector<16xi32>,
      %add3A_140 = arith.constant 16 : i32
      %add3A_141 = arith.addi %mul3A_117, %add3A_140 : i32
      %get3A_142 = arith.index_cast %add3A_141 : i32 to index
      %get3A_143 = tpu.vector_load %arg15[%get3A_142] {strides = array<i32>} : memref<10000xi32, #tpu.memory_space<vmem>>, vector<16xi32>,
      %gather3A_144 = tpu.vector_load_idx %arg10[%get3A_143] : memref<10000xf32, #tpu.memory_space<vmem>>[vector<16xi32>], vector<16xf32>,
      %gather3A_145 = tpu.vector_load_idx %arg11[%get3A_139] : memref<10000xf32, #tpu.memory_space<vmem>>[vector<16xi32>], vector<16xf32>,
      %add3A_146 = arith.addf %gather3A_144, %gather3A_145 : vector<16xf32>
      %gt3A_147 = arith.constant 0.000000e+00 : f32
      %gt3A_148 = vector.broadcast %gt3A_147 : f32 to vector<16xf32>
      %gt3A_149 = arith.cmpf ogt, %add3A_146, %gt3A_148 : vector<16xf32>
      %mul3A_150 = arith.constant 2.000000e-01 : f32
      %mul3A_151 = vector.broadcast %mul3A_150 : f32 to vector<16xf32>
      %mul3A_152 = arith.mulf %add3A_146, %mul3A_151 : vector<16xf32>
      %select_n3A_153 = arith.select %gt3A_149, %add3A_146, %mul3A_152 : vector<16xi1>, vector<16xf32>
      %exp3A_154 = math.exp %select_n3A_153 : vector<16xf32>
      %add3A_155 = arith.constant 16 : i32
      %add3A_156 = arith.addi %mul3A_117, %add3A_155 : i32
      %swap3A_157 = arith.index_cast %add3A_156 : i32 to index
      %swap3A_158 = tpu.vector_load %arg16[%swap3A_157] {strides = array<i32>} : memref<10000xf32, #tpu.memory_space<vmem>>, vector<16xf32>,
      tpu.vector_store %arg16[%swap3A_157], %exp3A_154 {strides = array<i32>} : memref<10000xf32, #tpu.memory_space<vmem>>, vector<16xf32>,
      %add3A_159 = arith.constant 32 : i32
      %add3A_160 = arith.addi %mul3A_117, %add3A_159 : i32
      %get3A_161 = arith.index_cast %add3A_160 : i32 to index
      %get3A_162 = tpu.vector_load %arg14[%get3A_161] {strides = array<i32>} : memref<10000xi32, #tpu.memory_space<vmem>>, vector<16xi32>,
      %add3A_163 = arith.constant 32 : i32
      %add3A_164 = arith.addi %mul3A_117, %add3A_163 : i32
      %get3A_165 = arith.index_cast %add3A_164 : i32 to index
      %get3A_166 = tpu.vector_load %arg15[%get3A_165] {strides = array<i32>} : memref<10000xi32, #tpu.memory_space<vmem>>, vector<16xi32>,
      %gather3A_167 = tpu.vector_load_idx %arg10[%get3A_166] : memref<10000xf32, #tpu.memory_space<vmem>>[vector<16xi32>], vector<16xf32>,
      %gather3A_168 = tpu.vector_load_idx %arg11[%get3A_162] : memref<10000xf32, #tpu.memory_space<vmem>>[vector<16xi32>], vector<16xf32>,
      %add3A_169 = arith.addf %gather3A_167, %gather3A_168 : vector<16xf32>
      %gt3A_170 = arith.constant 0.000000e+00 : f32
      %gt3A_171 = vector.broadcast %gt3A_170 : f32 to vector<16xf32>
      %gt3A_172 = arith.cmpf ogt, %add3A_169, %gt3A_171 : vector<16xf32>
      %mul3A_173 = arith.constant 2.000000e-01 : f32
      %mul3A_174 = vector.broadcast %mul3A_173 : f32 to vector<16xf32>
      %mul3A_175 = arith.mulf %add3A_169, %mul3A_174 : vector<16xf32>
      %select_n3A_176 = arith.select %gt3A_172, %add3A_169, %mul3A_175 : vector<16xi1>, vector<16xf32>
      %exp3A_177 = math.exp %select_n3A_176 : vector<16xf32>
      %add3A_178 = arith.constant 32 : i32
      %add3A_179 = arith.addi %mul3A_117, %add3A_178 : i32
      %swap3A_180 = arith.index_cast %add3A_179 : i32 to index
      %swap3A_181 = tpu.vector_load %arg16[%swap3A_180] {strides = array<i32>} : memref<10000xf32, #tpu.memory_space<vmem>>, vector<16xf32>,
      tpu.vector_store %arg16[%swap3A_180], %exp3A_177 {strides = array<i32>} : memref<10000xf32, #tpu.memory_space<vmem>>, vector<16xf32>,
      %add3A_182 = arith.constant 48 : i32
      %add3A_183 = arith.addi %mul3A_117, %add3A_182 : i32
      %get3A_184 = arith.index_cast %add3A_183 : i32 to index
      %get3A_185 = tpu.vector_load %arg14[%get3A_184] {strides = array<i32>} : memref<10000xi32, #tpu.memory_space<vmem>>, vector<16xi32>,
      %add3A_186 = arith.constant 48 : i32
      %add3A_187 = arith.addi %mul3A_117, %add3A_186 : i32
      %get3A_188 = arith.index_cast %add3A_187 : i32 to index
      %get3A_189 = tpu.vector_load %arg15[%get3A_188] {strides = array<i32>} : memref<10000xi32, #tpu.memory_space<vmem>>, vector<16xi32>,
      %gather3A_190 = tpu.vector_load_idx %arg10[%get3A_189] : memref<10000xf32, #tpu.memory_space<vmem>>[vector<16xi32>], vector<16xf32>,
      %gather3A_191 = tpu.vector_load_idx %arg11[%get3A_185] : memref<10000xf32, #tpu.memory_space<vmem>>[vector<16xi32>], vector<16xf32>,
      %add3A_192 = arith.addf %gather3A_190, %gather3A_191 : vector<16xf32>
      %gt3A_193 = arith.constant 0.000000e+00 : f32
      %gt3A_194 = vector.broadcast %gt3A_193 : f32 to vector<16xf32>
      %gt3A_195 = arith.cmpf ogt, %add3A_192, %gt3A_194 : vector<16xf32>
      %mul3A_196 = arith.constant 2.000000e-01 : f32
      %mul3A_197 = vector.broadcast %mul3A_196 : f32 to vector<16xf32>
      %mul3A_198 = arith.mulf %add3A_192, %mul3A_197 : vector<16xf32>
      %select_n3A_199 = arith.select %gt3A_195, %add3A_192, %mul3A_198 : vector<16xi1>, vector<16xf32>
      %exp3A_200 = math.exp %select_n3A_199 : vector<16xf32>
      %add3A_201 = arith.constant 48 : i32
      %add3A_202 = arith.addi %mul3A_117, %add3A_201 : i32
      %swap3A_203 = arith.index_cast %add3A_202 : i32 to index
      %swap3A_204 = tpu.vector_load %arg16[%swap3A_203] {strides = array<i32>} : memref<10000xf32, #tpu.memory_space<vmem>>, vector<16xf32>,
      tpu.vector_store %arg16[%swap3A_203], %exp3A_200 {strides = array<i32>} : memref<10000xf32, #tpu.memory_space<vmem>>, vector<16xf32>,
      %add3A_205 = arith.constant 64 : i32
      %add3A_206 = arith.addi %mul3A_117, %add3A_205 : i32
      %get3A_207 = arith.index_cast %add3A_206 : i32 to index
      %get3A_208 = tpu.vector_load %arg14[%get3A_207] {strides = array<i32>} : memref<10000xi32, #tpu.memory_space<vmem>>, vector<16xi32>,
      %add3A_209 = arith.constant 64 : i32
      %add3A_210 = arith.addi %mul3A_117, %add3A_209 : i32
      %get3A_211 = arith.index_cast %add3A_210 : i32 to index
      %get3A_212 = tpu.vector_load %arg15[%get3A_211] {strides = array<i32>} : memref<10000xi32, #tpu.memory_space<vmem>>, vector<16xi32>,
      %gather3A_213 = tpu.vector_load_idx %arg10[%get3A_212] : memref<10000xf32, #tpu.memory_space<vmem>>[vector<16xi32>], vector<16xf32>,
      %gather3A_214 = tpu.vector_load_idx %arg11[%get3A_208] : memref<10000xf32, #tpu.memory_space<vmem>>[vector<16xi32>], vector<16xf32>,
      %add3A_215 = arith.addf %gather3A_213, %gather3A_214 : vector<16xf32>
      %gt3A_216 = arith.constant 0.000000e+00 : f32
      %gt3A_217 = vector.broadcast %gt3A_216 : f32 to vector<16xf32>
      %gt3A_218 = arith.cmpf ogt, %add3A_215, %gt3A_217 : vector<16xf32>
      %mul3A_219 = arith.constant 2.000000e-01 : f32
      %mul3A_220 = vector.broadcast %mul3A_219 : f32 to vector<16xf32>
      %mul3A_221 = arith.mulf %add3A_215, %mul3A_220 : vector<16xf32>
      %select_n3A_222 = arith.select %gt3A_218, %add3A_215, %mul3A_221 : vector<16xi1>, vector<16xf32>
      %exp3A_223 = math.exp %select_n3A_222 : vector<16xf32>
      %add3A_224 = arith.constant 64 : i32
      %add3A_225 = arith.addi %mul3A_117, %add3A_224 : i32
      %swap3A_226 = arith.index_cast %add3A_225 : i32 to index
      %swap3A_227 = tpu.vector_load %arg16[%swap3A_226] {strides = array<i32>} : memref<10000xf32, #tpu.memory_space<vmem>>, vector<16xf32>,
      tpu.vector_store %arg16[%swap3A_226], %exp3A_223 {strides = array<i32>} : memref<10000xf32, #tpu.memory_space<vmem>>, vector<16xf32>,
      %add3A_228 = arith.addf %exp3A, %exp3A_154 : vector<16xf32>
      %add3A_229 = arith.addf %exp3A_177, %exp3A_200 : vector<16xf32>
      %add3A_230 = arith.addf %add3A_228, %add3A_229 : vector<16xf32>
      %add3A_231 = arith.addf %add3A_230, %exp3A_223 : vector<16xf32>
      %add3A_232 = arith.addf %scan3A_115, %add3A_231 : vector<16xf32>
      scf.yield %add3A_232 : vector<16xf32>
    }
    %scan3A_22 = arith.constant 125 : i32
    %swap3A = arith.constant 0 : index
    %swap3A_23 = tpu.vector_load %arg17[%swap3A] {strides = array<i32>} : memref<16xf32, #tpu.memory_space<vmem>>, vector<16xf32>,
    tpu.vector_store %arg17[%swap3A], %scan3A_21 {strides = array<i32>} : memref<16xf32, #tpu.memory_space<vmem>>, vector<16xf32>,
    %mul3A_24 = arith.constant 10000 : i32
    %mul3A_25 = arith.muli %shift_right_arithmetic3A_2, %mul3A_24 : i32
    %add3A_26 = arith.addi %mul3A_11, %mul3A_25 : i32
    "tpu.region"() ({
      %run_scoped3A = tpu.sem_alloc : memref<!tpu.dma_semaphore, #tpu.memory_space<semaphore_mem>>
      %dma_start3A = tpu.memref_slice %arg18[%add3A_26] : memref<160000xf32, #tpu.memory_space<vmem_shared>> -> memref<10000xf32, #tpu.memory_space<vmem_shared>>
      %dma_start3A_114 = tpu.memref_slice %arg18[%add3A_26] : memref<160000xf32, #tpu.memory_space<vmem_shared>> -> memref<10000xf32, #tpu.memory_space<vmem_shared>>
      tpu.enqueue_dma source(%arg16 : memref<10000xf32, #tpu.memory_space<vmem>>) target(%dma_start3A_114 : memref<10000xf32, #tpu.memory_space<vmem_shared>>) target_semaphore(%run_scoped3A : memref<!tpu.dma_semaphore, #tpu.memory_space<semaphore_mem>>)
      %dma_wait3A = tpu.memref_slice %arg18[%add3A_26] : memref<160000xf32, #tpu.memory_space<vmem_shared>> -> memref<10000xf32, #tpu.memory_space<vmem_shared>>
      %dma_wait3A_115 = tpu.memref_slice %arg18[%add3A_26] : memref<160000xf32, #tpu.memory_space<vmem_shared>> -> memref<10000xf32, #tpu.memory_space<vmem_shared>>
      tpu.wait_dma2 semaphore(%run_scoped3A : memref<!tpu.dma_semaphore, #tpu.memory_space<semaphore_mem>>) src(%arg16 : memref<10000xf32, #tpu.memory_space<vmem>>) dst(%dma_wait3A_115 : memref<10000xf32, #tpu.memory_space<vmem_shared>>)
      tpu.yield
    }) : () -> ()
    %barrier3A = arith.constant 0 : index
    tpu.barrier barrier_id(%barrier3A)
    %add3A_27 = arith.constant 0 : i32
    %add3A_28 = arith.addi %mul3A_7, %add3A_27 : i32
    "tpu.region"() ({
      %run_scoped3A = tpu.sem_alloc : memref<!tpu.dma_semaphore, #tpu.memory_space<semaphore_mem>>
      %dma_start3A = tpu.memref_slice %arg2[%add3A_28] : memref<320000xi32, #tpu.memory_space<hbm>> -> memref<10000xi32, #tpu.memory_space<hbm>>
      %dma_start3A_114 = tpu.memref_slice %arg2[%add3A_28] : memref<320000xi32, #tpu.memory_space<hbm>> -> memref<10000xi32, #tpu.memory_space<hbm>>
      tpu.enqueue_dma source(%dma_start3A_114 : memref<10000xi32, #tpu.memory_space<hbm>>) target(%arg14 : memref<10000xi32, #tpu.memory_space<vmem>>) target_semaphore(%run_scoped3A : memref<!tpu.dma_semaphore, #tpu.memory_space<semaphore_mem>>)
      %dma_wait3A = tpu.memref_slice %arg2[%add3A_28] : memref<320000xi32, #tpu.memory_space<hbm>> -> memref<10000xi32, #tpu.memory_space<hbm>>
      %dma_wait3A_115 = tpu.memref_slice %arg2[%add3A_28] : memref<320000xi32, #tpu.memory_space<hbm>> -> memref<10000xi32, #tpu.memory_space<hbm>>
      tpu.wait_dma2 semaphore(%run_scoped3A : memref<!tpu.dma_semaphore, #tpu.memory_space<semaphore_mem>>) src(%dma_wait3A_115 : memref<10000xi32, #tpu.memory_space<hbm>>) dst(%arg14 : memref<10000xi32, #tpu.memory_space<vmem>>)
      tpu.yield
    }) : () -> ()
    "tpu.region"() ({
      %run_scoped3A = tpu.sem_alloc : memref<!tpu.dma_semaphore, #tpu.memory_space<semaphore_mem>>
      %dma_start3A = tpu.memref_slice %arg3[%add3A_28] : memref<320000xi32, #tpu.memory_space<hbm>> -> memref<10000xi32, #tpu.memory_space<hbm>>
      %dma_start3A_114 = tpu.memref_slice %arg3[%add3A_28] : memref<320000xi32, #tpu.memory_space<hbm>> -> memref<10000xi32, #tpu.memory_space<hbm>>
      tpu.enqueue_dma source(%dma_start3A_114 : memref<10000xi32, #tpu.memory_space<hbm>>) target(%arg15 : memref<10000xi32, #tpu.memory_space<vmem>>) target_semaphore(%run_scoped3A : memref<!tpu.dma_semaphore, #tpu.memory_space<semaphore_mem>>)
      %dma_wait3A = tpu.memref_slice %arg3[%add3A_28] : memref<320000xi32, #tpu.memory_space<hbm>> -> memref<10000xi32, #tpu.memory_space<hbm>>
      %dma_wait3A_115 = tpu.memref_slice %arg3[%add3A_28] : memref<320000xi32, #tpu.memory_space<hbm>> -> memref<10000xi32, #tpu.memory_space<hbm>>
      tpu.wait_dma2 semaphore(%run_scoped3A : memref<!tpu.dma_semaphore, #tpu.memory_space<semaphore_mem>>) src(%dma_wait3A_115 : memref<10000xi32, #tpu.memory_space<hbm>>) dst(%arg15 : memref<10000xi32, #tpu.memory_space<vmem>>)
      tpu.yield
    }) : () -> ()
    %add3A_29 = arith.constant 0 : i32
    %add3A_30 = arith.addi %mul3A_11, %add3A_29 : i32
    "tpu.region"() ({
      %run_scoped3A = tpu.sem_alloc : memref<!tpu.dma_semaphore, #tpu.memory_space<semaphore_mem>>
      %dma_start3A = tpu.memref_slice %arg18[%add3A_30] : memref<160000xf32, #tpu.memory_space<vmem_shared>> -> memref<10000xf32, #tpu.memory_space<vmem_shared>>
      %dma_start3A_114 = tpu.memref_slice %arg18[%add3A_30] : memref<160000xf32, #tpu.memory_space<vmem_shared>> -> memref<10000xf32, #tpu.memory_space<vmem_shared>>
      tpu.enqueue_dma source(%dma_start3A_114 : memref<10000xf32, #tpu.memory_space<vmem_shared>>) target(%arg16 : memref<10000xf32, #tpu.memory_space<vmem>>) target_semaphore(%run_scoped3A : memref<!tpu.dma_semaphore, #tpu.memory_space<semaphore_mem>>)
      %dma_wait3A = tpu.memref_slice %arg18[%add3A_30] : memref<160000xf32, #tpu.memory_space<vmem_shared>> -> memref<10000xf32, #tpu.memory_space<vmem_shared>>
      %dma_wait3A_115 = tpu.memref_slice %arg18[%add3A_30] : memref<160000xf32, #tpu.memory_space<vmem_shared>> -> memref<10000xf32, #tpu.memory_space<vmem_shared>>
      tpu.wait_dma2 semaphore(%run_scoped3A : memref<!tpu.dma_semaphore, #tpu.memory_space<semaphore_mem>>) src(%dma_wait3A_115 : memref<10000xf32, #tpu.memory_space<vmem_shared>>) dst(%arg16 : memref<10000xf32, #tpu.memory_space<vmem>>)
      tpu.yield
    }) : () -> ()
    %scan3A_31 = arith.constant 0 : i32
    %scan3A_32 = arith.constant 0 : i32
    %scan3A_33 = arith.constant 125 : i32
    %scan3A_34 = arith.addi %scan3A_32, %scan3A_33 : i32
    %scan3A_35 = arith.constant 1 : i32
    scf.for %scan3A_114 = %scan3A_32 to %scan3A_34 step %scan3A_35  : i32 {
      %mul3A_115 = arith.constant 80 : i32
      %mul3A_116 = arith.muli %scan3A_114, %mul3A_115 : i32
      %add3A_117 = arith.constant 0 : i32
      %add3A_118 = arith.addi %mul3A_116, %add3A_117 : i32
      %get3A = arith.index_cast %add3A_118 : i32 to index
      %get3A_119 = tpu.vector_load %arg14[%get3A] {strides = array<i32>} : memref<10000xi32, #tpu.memory_space<vmem>>, vector<16xi32>,
      %add3A_120 = arith.constant 0 : i32
      %add3A_121 = arith.addi %mul3A_116, %add3A_120 : i32
      %get3A_122 = arith.index_cast %add3A_121 : i32 to index
      %get3A_123 = tpu.vector_load %arg15[%get3A_122] {strides = array<i32>} : memref<10000xi32, #tpu.memory_space<vmem>>, vector<16xi32>,
      %add3A_124 = arith.constant 0 : i32
      %add3A_125 = arith.addi %mul3A_116, %add3A_124 : i32
      %get3A_126 = arith.index_cast %add3A_125 : i32 to index
      %get3A_127 = tpu.vector_load %arg16[%get3A_126] {strides = array<i32>} : memref<10000xf32, #tpu.memory_space<vmem>>, vector<16xf32>,
      %gather3A = tpu.vector_load_idx %arg12[%get3A_119] : memref<10000xf32, #tpu.memory_space<vmem>>[vector<16xi32>], vector<16xf32>,
      %mul3A_128 = arith.mulf %get3A_127, %gather3A : vector<16xf32>
      tpu.vector_store_idx %arg13[%get3A_123], %mul3A_128 {add = true} : memref<10000xf32, #tpu.memory_space<vmem>>[vector<16xi32>], vector<16xf32>,
      %add3A_129 = arith.constant 16 : i32
      %add3A_130 = arith.addi %mul3A_116, %add3A_129 : i32
      %get3A_131 = arith.index_cast %add3A_130 : i32 to index
      %get3A_132 = tpu.vector_load %arg14[%get3A_131] {strides = array<i32>} : memref<10000xi32, #tpu.memory_space<vmem>>, vector<16xi32>,
      %add3A_133 = arith.constant 16 : i32
      %add3A_134 = arith.addi %mul3A_116, %add3A_133 : i32
      %get3A_135 = arith.index_cast %add3A_134 : i32 to index
      %get3A_136 = tpu.vector_load %arg15[%get3A_135] {strides = array<i32>} : memref<10000xi32, #tpu.memory_space<vmem>>, vector<16xi32>,
      %add3A_137 = arith.constant 16 : i32
      %add3A_138 = arith.addi %mul3A_116, %add3A_137 : i32
      %get3A_139 = arith.index_cast %add3A_138 : i32 to index
      %get3A_140 = tpu.vector_load %arg16[%get3A_139] {strides = array<i32>} : memref<10000xf32, #tpu.memory_space<vmem>>, vector<16xf32>,
      %gather3A_141 = tpu.vector_load_idx %arg12[%get3A_132] : memref<10000xf32, #tpu.memory_space<vmem>>[vector<16xi32>], vector<16xf32>,
      %mul3A_142 = arith.mulf %get3A_140, %gather3A_141 : vector<16xf32>
      tpu.vector_store_idx %arg13[%get3A_136], %mul3A_142 {add = true} : memref<10000xf32, #tpu.memory_space<vmem>>[vector<16xi32>], vector<16xf32>,
      %add3A_143 = arith.constant 32 : i32
      %add3A_144 = arith.addi %mul3A_116, %add3A_143 : i32
      %get3A_145 = arith.index_cast %add3A_144 : i32 to index
      %get3A_146 = tpu.vector_load %arg14[%get3A_145] {strides = array<i32>} : memref<10000xi32, #tpu.memory_space<vmem>>, vector<16xi32>,
      %add3A_147 = arith.constant 32 : i32
      %add3A_148 = arith.addi %mul3A_116, %add3A_147 : i32
      %get3A_149 = arith.index_cast %add3A_148 : i32 to index
      %get3A_150 = tpu.vector_load %arg15[%get3A_149] {strides = array<i32>} : memref<10000xi32, #tpu.memory_space<vmem>>, vector<16xi32>,
      %add3A_151 = arith.constant 32 : i32
      %add3A_152 = arith.addi %mul3A_116, %add3A_151 : i32
      %get3A_153 = arith.index_cast %add3A_152 : i32 to index
      %get3A_154 = tpu.vector_load %arg16[%get3A_153] {strides = array<i32>} : memref<10000xf32, #tpu.memory_space<vmem>>, vector<16xf32>,
      %gather3A_155 = tpu.vector_load_idx %arg12[%get3A_146] : memref<10000xf32, #tpu.memory_space<vmem>>[vector<16xi32>], vector<16xf32>,
      %mul3A_156 = arith.mulf %get3A_154, %gather3A_155 : vector<16xf32>
      tpu.vector_store_idx %arg13[%get3A_150], %mul3A_156 {add = true} : memref<10000xf32, #tpu.memory_space<vmem>>[vector<16xi32>], vector<16xf32>,
      %add3A_157 = arith.constant 48 : i32
      %add3A_158 = arith.addi %mul3A_116, %add3A_157 : i32
      %get3A_159 = arith.index_cast %add3A_158 : i32 to index
      %get3A_160 = tpu.vector_load %arg14[%get3A_159] {strides = array<i32>} : memref<10000xi32, #tpu.memory_space<vmem>>, vector<16xi32>,
      %add3A_161 = arith.constant 48 : i32
      %add3A_162 = arith.addi %mul3A_116, %add3A_161 : i32
      %get3A_163 = arith.index_cast %add3A_162 : i32 to index
      %get3A_164 = tpu.vector_load %arg15[%get3A_163] {strides = array<i32>} : memref<10000xi32, #tpu.memory_space<vmem>>, vector<16xi32>,
      %add3A_165 = arith.constant 48 : i32
      %add3A_166 = arith.addi %mul3A_116, %add3A_165 : i32
      %get3A_167 = arith.index_cast %add3A_166 : i32 to index
      %get3A_168 = tpu.vector_load %arg16[%get3A_167] {strides = array<i32>} : memref<10000xf32, #tpu.memory_space<vmem>>, vector<16xf32>,
      %gather3A_169 = tpu.vector_load_idx %arg12[%get3A_160] : memref<10000xf32, #tpu.memory_space<vmem>>[vector<16xi32>], vector<16xf32>,
      %mul3A_170 = arith.mulf %get3A_168, %gather3A_169 : vector<16xf32>
      tpu.vector_store_idx %arg13[%get3A_164], %mul3A_170 {add = true} : memref<10000xf32, #tpu.memory_space<vmem>>[vector<16xi32>], vector<16xf32>,
      %add3A_171 = arith.constant 64 : i32
      %add3A_172 = arith.addi %mul3A_116, %add3A_171 : i32
      %get3A_173 = arith.index_cast %add3A_172 : i32 to index
      %get3A_174 = tpu.vector_load %arg14[%get3A_173] {strides = array<i32>} : memref<10000xi32, #tpu.memory_space<vmem>>, vector<16xi32>,
      %add3A_175 = arith.constant 64 : i32
      %add3A_176 = arith.addi %mul3A_116, %add3A_175 : i32
      %get3A_177 = arith.index_cast %add3A_176 : i32 to index
      %get3A_178 = tpu.vector_load %arg15[%get3A_177] {strides = array<i32>} : memref<10000xi32, #tpu.memory_space<vmem>>, vector<16xi32>,
      %add3A_179 = arith.constant 64 : i32
      %add3A_180 = arith.addi %mul3A_116, %add3A_179 : i32
      %get3A_181 = arith.index_cast %add3A_180 : i32 to index
      %get3A_182 = tpu.vector_load %arg16[%get3A_181] {strides = array<i32>} : memref<10000xf32, #tpu.memory_space<vmem>>, vector<16xf32>,
      %gather3A_183 = tpu.vector_load_idx %arg12[%get3A_174] : memref<10000xf32, #tpu.memory_space<vmem>>[vector<16xi32>], vector<16xf32>,
      %mul3A_184 = arith.mulf %get3A_182, %gather3A_183 : vector<16xf32>
      tpu.vector_store_idx %arg13[%get3A_178], %mul3A_184 {add = true} : memref<10000xf32, #tpu.memory_space<vmem>>[vector<16xi32>], vector<16xf32>,
    }
    %scan3A_36 = arith.constant 125 : i32
    %add3A_37 = arith.constant 10000 : i32
    %add3A_38 = arith.addi %mul3A_7, %add3A_37 : i32
    "tpu.region"() ({
      %run_scoped3A = tpu.sem_alloc : memref<!tpu.dma_semaphore, #tpu.memory_space<semaphore_mem>>
      %dma_start3A = tpu.memref_slice %arg2[%add3A_38] : memref<320000xi32, #tpu.memory_space<hbm>> -> memref<10000xi32, #tpu.memory_space<hbm>>
      %dma_start3A_114 = tpu.memref_slice %arg2[%add3A_38] : memref<320000xi32, #tpu.memory_space<hbm>> -> memref<10000xi32, #tpu.memory_space<hbm>>
      tpu.enqueue_dma source(%dma_start3A_114 : memref<10000xi32, #tpu.memory_space<hbm>>) target(%arg14 : memref<10000xi32, #tpu.memory_space<vmem>>) target_semaphore(%run_scoped3A : memref<!tpu.dma_semaphore, #tpu.memory_space<semaphore_mem>>)
      %dma_wait3A = tpu.memref_slice %arg2[%add3A_38] : memref<320000xi32, #tpu.memory_space<hbm>> -> memref<10000xi32, #tpu.memory_space<hbm>>
      %dma_wait3A_115 = tpu.memref_slice %arg2[%add3A_38] : memref<320000xi32, #tpu.memory_space<hbm>> -> memref<10000xi32, #tpu.memory_space<hbm>>
      tpu.wait_dma2 semaphore(%run_scoped3A : memref<!tpu.dma_semaphore, #tpu.memory_space<semaphore_mem>>) src(%dma_wait3A_115 : memref<10000xi32, #tpu.memory_space<hbm>>) dst(%arg14 : memref<10000xi32, #tpu.memory_space<vmem>>)
      tpu.yield
    }) : () -> ()
    "tpu.region"() ({
      %run_scoped3A = tpu.sem_alloc : memref<!tpu.dma_semaphore, #tpu.memory_space<semaphore_mem>>
      %dma_start3A = tpu.memref_slice %arg3[%add3A_38] : memref<320000xi32, #tpu.memory_space<hbm>> -> memref<10000xi32, #tpu.memory_space<hbm>>
      %dma_start3A_114 = tpu.memref_slice %arg3[%add3A_38] : memref<320000xi32, #tpu.memory_space<hbm>> -> memref<10000xi32, #tpu.memory_space<hbm>>
      tpu.enqueue_dma source(%dma_start3A_114 : memref<10000xi32, #tpu.memory_space<hbm>>) target(%arg15 : memref<10000xi32, #tpu.memory_space<vmem>>) target_semaphore(%run_scoped3A : memref<!tpu.dma_semaphore, #tpu.memory_space<semaphore_mem>>)
      %dma_wait3A = tpu.memref_slice %arg3[%add3A_38] : memref<320000xi32, #tpu.memory_space<hbm>> -> memref<10000xi32, #tpu.memory_space<hbm>>
      %dma_wait3A_115 = tpu.memref_slice %arg3[%add3A_38] : memref<320000xi32, #tpu.memory_space<hbm>> -> memref<10000xi32, #tpu.memory_space<hbm>>
      tpu.wait_dma2 semaphore(%run_scoped3A : memref<!tpu.dma_semaphore, #tpu.memory_space<semaphore_mem>>) src(%dma_wait3A_115 : memref<10000xi32, #tpu.memory_space<hbm>>) dst(%arg15 : memref<10000xi32, #tpu.memory_space<vmem>>)
      tpu.yield
    }) : () -> ()
    %add3A_39 = arith.constant 10000 : i32
    %add3A_40 = arith.addi %mul3A_11, %add3A_39 : i32
    "tpu.region"() ({
      %run_scoped3A = tpu.sem_alloc : memref<!tpu.dma_semaphore, #tpu.memory_space<semaphore_mem>>
      %dma_start3A = tpu.memref_slice %arg18[%add3A_40] : memref<160000xf32, #tpu.memory_space<vmem_shared>> -> memref<10000xf32, #tpu.memory_space<vmem_shared>>
      %dma_start3A_114 = tpu.memref_slice %arg18[%add3A_40] : memref<160000xf32, #tpu.memory_space<vmem_shared>> -> memref<10000xf32, #tpu.memory_space<vmem_shared>>
      tpu.enqueue_dma source(%dma_start3A_114 : memref<10000xf32, #tpu.memory_space<vmem_shared>>) target(%arg16 : memref<10000xf32, #tpu.memory_space<vmem>>) target_semaphore(%run_scoped3A : memref<!tpu.dma_semaphore, #tpu.memory_space<semaphore_mem>>)
      %dma_wait3A = tpu.memref_slice %arg18[%add3A_40] : memref<160000xf32, #tpu.memory_space<vmem_shared>> -> memref<10000xf32, #tpu.memory_space<vmem_shared>>
      %dma_wait3A_115 = tpu.memref_slice %arg18[%add3A_40] : memref<160000xf32, #tpu.memory_space<vmem_shared>> -> memref<10000xf32, #tpu.memory_space<vmem_shared>>
      tpu.wait_dma2 semaphore(%run_scoped3A : memref<!tpu.dma_semaphore, #tpu.memory_space<semaphore_mem>>) src(%dma_wait3A_115 : memref<10000xf32, #tpu.memory_space<vmem_shared>>) dst(%arg16 : memref<10000xf32, #tpu.memory_space<vmem>>)
      tpu.yield
    }) : () -> ()
    %scan3A_41 = arith.constant 0 : i32
    %scan3A_42 = arith.constant 0 : i32
    %scan3A_43 = arith.constant 125 : i32
    %scan3A_44 = arith.addi %scan3A_42, %scan3A_43 : i32
    %scan3A_45 = arith.constant 1 : i32
    scf.for %scan3A_114 = %scan3A_42 to %scan3A_44 step %scan3A_45  : i32 {
      %mul3A_115 = arith.constant 80 : i32
      %mul3A_116 = arith.muli %scan3A_114, %mul3A_115 : i32
      %add3A_117 = arith.constant 0 : i32
      %add3A_118 = arith.addi %mul3A_116, %add3A_117 : i32
      %get3A = arith.index_cast %add3A_118 : i32 to index
      %get3A_119 = tpu.vector_load %arg14[%get3A] {strides = array<i32>} : memref<10000xi32, #tpu.memory_space<vmem>>, vector<16xi32>,
      %add3A_120 = arith.constant 0 : i32
      %add3A_121 = arith.addi %mul3A_116, %add3A_120 : i32
      %get3A_122 = arith.index_cast %add3A_121 : i32 to index
      %get3A_123 = tpu.vector_load %arg15[%get3A_122] {strides = array<i32>} : memref<10000xi32, #tpu.memory_space<vmem>>, vector<16xi32>,
      %add3A_124 = arith.constant 0 : i32
      %add3A_125 = arith.addi %mul3A_116, %add3A_124 : i32
      %get3A_126 = arith.index_cast %add3A_125 : i32 to index
      %get3A_127 = tpu.vector_load %arg16[%get3A_126] {strides = array<i32>} : memref<10000xf32, #tpu.memory_space<vmem>>, vector<16xf32>,
      %gather3A = tpu.vector_load_idx %arg12[%get3A_119] : memref<10000xf32, #tpu.memory_space<vmem>>[vector<16xi32>], vector<16xf32>,
      %mul3A_128 = arith.mulf %get3A_127, %gather3A : vector<16xf32>
      tpu.vector_store_idx %arg13[%get3A_123], %mul3A_128 {add = true} : memref<10000xf32, #tpu.memory_space<vmem>>[vector<16xi32>], vector<16xf32>,
      %add3A_129 = arith.constant 16 : i32
      %add3A_130 = arith.addi %mul3A_116, %add3A_129 : i32
      %get3A_131 = arith.index_cast %add3A_130 : i32 to index
      %get3A_132 = tpu.vector_load %arg14[%get3A_131] {strides = array<i32>} : memref<10000xi32, #tpu.memory_space<vmem>>, vector<16xi32>,
      %add3A_133 = arith.constant 16 : i32
      %add3A_134 = arith.addi %mul3A_116, %add3A_133 : i32
      %get3A_135 = arith.index_cast %add3A_134 : i32 to index
      %get3A_136 = tpu.vector_load %arg15[%get3A_135] {strides = array<i32>} : memref<10000xi32, #tpu.memory_space<vmem>>, vector<16xi32>,
      %add3A_137 = arith.constant 16 : i32
      %add3A_138 = arith.addi %mul3A_116, %add3A_137 : i32
      %get3A_139 = arith.index_cast %add3A_138 : i32 to index
      %get3A_140 = tpu.vector_load %arg16[%get3A_139] {strides = array<i32>} : memref<10000xf32, #tpu.memory_space<vmem>>, vector<16xf32>,
      %gather3A_141 = tpu.vector_load_idx %arg12[%get3A_132] : memref<10000xf32, #tpu.memory_space<vmem>>[vector<16xi32>], vector<16xf32>,
      %mul3A_142 = arith.mulf %get3A_140, %gather3A_141 : vector<16xf32>
      tpu.vector_store_idx %arg13[%get3A_136], %mul3A_142 {add = true} : memref<10000xf32, #tpu.memory_space<vmem>>[vector<16xi32>], vector<16xf32>,
      %add3A_143 = arith.constant 32 : i32
      %add3A_144 = arith.addi %mul3A_116, %add3A_143 : i32
      %get3A_145 = arith.index_cast %add3A_144 : i32 to index
      %get3A_146 = tpu.vector_load %arg14[%get3A_145] {strides = array<i32>} : memref<10000xi32, #tpu.memory_space<vmem>>, vector<16xi32>,
      %add3A_147 = arith.constant 32 : i32
      %add3A_148 = arith.addi %mul3A_116, %add3A_147 : i32
      %get3A_149 = arith.index_cast %add3A_148 : i32 to index
      %get3A_150 = tpu.vector_load %arg15[%get3A_149] {strides = array<i32>} : memref<10000xi32, #tpu.memory_space<vmem>>, vector<16xi32>,
      %add3A_151 = arith.constant 32 : i32
      %add3A_152 = arith.addi %mul3A_116, %add3A_151 : i32
      %get3A_153 = arith.index_cast %add3A_152 : i32 to index
      %get3A_154 = tpu.vector_load %arg16[%get3A_153] {strides = array<i32>} : memref<10000xf32, #tpu.memory_space<vmem>>, vector<16xf32>,
      %gather3A_155 = tpu.vector_load_idx %arg12[%get3A_146] : memref<10000xf32, #tpu.memory_space<vmem>>[vector<16xi32>], vector<16xf32>,
      %mul3A_156 = arith.mulf %get3A_154, %gather3A_155 : vector<16xf32>
      tpu.vector_store_idx %arg13[%get3A_150], %mul3A_156 {add = true} : memref<10000xf32, #tpu.memory_space<vmem>>[vector<16xi32>], vector<16xf32>,
      %add3A_157 = arith.constant 48 : i32
      %add3A_158 = arith.addi %mul3A_116, %add3A_157 : i32
      %get3A_159 = arith.index_cast %add3A_158 : i32 to index
      %get3A_160 = tpu.vector_load %arg14[%get3A_159] {strides = array<i32>} : memref<10000xi32, #tpu.memory_space<vmem>>, vector<16xi32>,
      %add3A_161 = arith.constant 48 : i32
      %add3A_162 = arith.addi %mul3A_116, %add3A_161 : i32
      %get3A_163 = arith.index_cast %add3A_162 : i32 to index
      %get3A_164 = tpu.vector_load %arg15[%get3A_163] {strides = array<i32>} : memref<10000xi32, #tpu.memory_space<vmem>>, vector<16xi32>,
      %add3A_165 = arith.constant 48 : i32
      %add3A_166 = arith.addi %mul3A_116, %add3A_165 : i32
      %get3A_167 = arith.index_cast %add3A_166 : i32 to index
      %get3A_168 = tpu.vector_load %arg16[%get3A_167] {strides = array<i32>} : memref<10000xf32, #tpu.memory_space<vmem>>, vector<16xf32>,
      %gather3A_169 = tpu.vector_load_idx %arg12[%get3A_160] : memref<10000xf32, #tpu.memory_space<vmem>>[vector<16xi32>], vector<16xf32>,
      %mul3A_170 = arith.mulf %get3A_168, %gather3A_169 : vector<16xf32>
      tpu.vector_store_idx %arg13[%get3A_164], %mul3A_170 {add = true} : memref<10000xf32, #tpu.memory_space<vmem>>[vector<16xi32>], vector<16xf32>,
      %add3A_171 = arith.constant 64 : i32
      %add3A_172 = arith.addi %mul3A_116, %add3A_171 : i32
      %get3A_173 = arith.index_cast %add3A_172 : i32 to index
      %get3A_174 = tpu.vector_load %arg14[%get3A_173] {strides = array<i32>} : memref<10000xi32, #tpu.memory_space<vmem>>, vector<16xi32>,
      %add3A_175 = arith.constant 64 : i32
      %add3A_176 = arith.addi %mul3A_116, %add3A_175 : i32
      %get3A_177 = arith.index_cast %add3A_176 : i32 to index
      %get3A_178 = tpu.vector_load %arg15[%get3A_177] {strides = array<i32>} : memref<10000xi32, #tpu.memory_space<vmem>>, vector<16xi32>,
      %add3A_179 = arith.constant 64 : i32
      %add3A_180 = arith.addi %mul3A_116, %add3A_179 : i32
      %get3A_181 = arith.index_cast %add3A_180 : i32 to index
      %get3A_182 = tpu.vector_load %arg16[%get3A_181] {strides = array<i32>} : memref<10000xf32, #tpu.memory_space<vmem>>, vector<16xf32>,
      %gather3A_183 = tpu.vector_load_idx %arg12[%get3A_174] : memref<10000xf32, #tpu.memory_space<vmem>>[vector<16xi32>], vector<16xf32>,
      %mul3A_184 = arith.mulf %get3A_182, %gather3A_183 : vector<16xf32>
      tpu.vector_store_idx %arg13[%get3A_178], %mul3A_184 {add = true} : memref<10000xf32, #tpu.memory_space<vmem>>[vector<16xi32>], vector<16xf32>,
    }
    %scan3A_46 = arith.constant 125 : i32
    %add3A_47 = arith.constant 20000 : i32
    %add3A_48 = arith.addi %mul3A_7, %add3A_47 : i32
    "tpu.region"() ({
      %run_scoped3A = tpu.sem_alloc : memref<!tpu.dma_semaphore, #tpu.memory_space<semaphore_mem>>
      %dma_start3A = tpu.memref_slice %arg2[%add3A_48] : memref<320000xi32, #tpu.memory_space<hbm>> -> memref<10000xi32, #tpu.memory_space<hbm>>
      %dma_start3A_114 = tpu.memref_slice %arg2[%add3A_48] : memref<320000xi32, #tpu.memory_space<hbm>> -> memref<10000xi32, #tpu.memory_space<hbm>>
      tpu.enqueue_dma source(%dma_start3A_114 : memref<10000xi32, #tpu.memory_space<hbm>>) target(%arg14 : memref<10000xi32, #tpu.memory_space<vmem>>) target_semaphore(%run_scoped3A : memref<!tpu.dma_semaphore, #tpu.memory_space<semaphore_mem>>)
      %dma_wait3A = tpu.memref_slice %arg2[%add3A_48] : memref<320000xi32, #tpu.memory_space<hbm>> -> memref<10000xi32, #tpu.memory_space<hbm>>
      %dma_wait3A_115 = tpu.memref_slice %arg2[%add3A_48] : memref<320000xi32, #tpu.memory_space<hbm>> -> memref<10000xi32, #tpu.memory_space<hbm>>
      tpu.wait_dma2 semaphore(%run_scoped3A : memref<!tpu.dma_semaphore, #tpu.memory_space<semaphore_mem>>) src(%dma_wait3A_115 : memref<10000xi32, #tpu.memory_space<hbm>>) dst(%arg14 : memref<10000xi32, #tpu.memory_space<vmem>>)
      tpu.yield
    }) : () -> ()
    "tpu.region"() ({
      %run_scoped3A = tpu.sem_alloc : memref<!tpu.dma_semaphore, #tpu.memory_space<semaphore_mem>>
      %dma_start3A = tpu.memref_slice %arg3[%add3A_48] : memref<320000xi32, #tpu.memory_space<hbm>> -> memref<10000xi32, #tpu.memory_space<hbm>>
      %dma_start3A_114 = tpu.memref_slice %arg3[%add3A_48] : memref<320000xi32, #tpu.memory_space<hbm>> -> memref<10000xi32, #tpu.memory_space<hbm>>
      tpu.enqueue_dma source(%dma_start3A_114 : memref<10000xi32, #tpu.memory_space<hbm>>) target(%arg15 : memref<10000xi32, #tpu.memory_space<vmem>>) target_semaphore(%run_scoped3A : memref<!tpu.dma_semaphore, #tpu.memory_space<semaphore_mem>>)
      %dma_wait3A = tpu.memref_slice %arg3[%add3A_48] : memref<320000xi32, #tpu.memory_space<hbm>> -> memref<10000xi32, #tpu.memory_space<hbm>>
      %dma_wait3A_115 = tpu.memref_slice %arg3[%add3A_48] : memref<320000xi32, #tpu.memory_space<hbm>> -> memref<10000xi32, #tpu.memory_space<hbm>>
      tpu.wait_dma2 semaphore(%run_scoped3A : memref<!tpu.dma_semaphore, #tpu.memory_space<semaphore_mem>>) src(%dma_wait3A_115 : memref<10000xi32, #tpu.memory_space<hbm>>) dst(%arg15 : memref<10000xi32, #tpu.memory_space<vmem>>)
      tpu.yield
    }) : () -> ()
    %add3A_49 = arith.constant 20000 : i32
    %add3A_50 = arith.addi %mul3A_11, %add3A_49 : i32
    "tpu.region"() ({
      %run_scoped3A = tpu.sem_alloc : memref<!tpu.dma_semaphore, #tpu.memory_space<semaphore_mem>>
      %dma_start3A = tpu.memref_slice %arg18[%add3A_50] : memref<160000xf32, #tpu.memory_space<vmem_shared>> -> memref<10000xf32, #tpu.memory_space<vmem_shared>>
      %dma_start3A_114 = tpu.memref_slice %arg18[%add3A_50] : memref<160000xf32, #tpu.memory_space<vmem_shared>> -> memref<10000xf32, #tpu.memory_space<vmem_shared>>
      tpu.enqueue_dma source(%dma_start3A_114 : memref<10000xf32, #tpu.memory_space<vmem_shared>>) target(%arg16 : memref<10000xf32, #tpu.memory_space<vmem>>) target_semaphore(%run_scoped3A : memref<!tpu.dma_semaphore, #tpu.memory_space<semaphore_mem>>)
      %dma_wait3A = tpu.memref_slice %arg18[%add3A_50] : memref<160000xf32, #tpu.memory_space<vmem_shared>> -> memref<10000xf32, #tpu.memory_space<vmem_shared>>
      %dma_wait3A_115 = tpu.memref_slice %arg18[%add3A_50] : memref<160000xf32, #tpu.memory_space<vmem_shared>> -> memref<10000xf32, #tpu.memory_space<vmem_shared>>
      tpu.wait_dma2 semaphore(%run_scoped3A : memref<!tpu.dma_semaphore, #tpu.memory_space<semaphore_mem>>) src(%dma_wait3A_115 : memref<10000xf32, #tpu.memory_space<vmem_shared>>) dst(%arg16 : memref<10000xf32, #tpu.memory_space<vmem>>)
      tpu.yield
    }) : () -> ()
    %scan3A_51 = arith.constant 0 : i32
    %scan3A_52 = arith.constant 0 : i32
    %scan3A_53 = arith.constant 125 : i32
    %scan3A_54 = arith.addi %scan3A_52, %scan3A_53 : i32
    %scan3A_55 = arith.constant 1 : i32
    scf.for %scan3A_114 = %scan3A_52 to %scan3A_54 step %scan3A_55  : i32 {
      %mul3A_115 = arith.constant 80 : i32
      %mul3A_116 = arith.muli %scan3A_114, %mul3A_115 : i32
      %add3A_117 = arith.constant 0 : i32
      %add3A_118 = arith.addi %mul3A_116, %add3A_117 : i32
      %get3A = arith.index_cast %add3A_118 : i32 to index
      %get3A_119 = tpu.vector_load %arg14[%get3A] {strides = array<i32>} : memref<10000xi32, #tpu.memory_space<vmem>>, vector<16xi32>,
      %add3A_120 = arith.constant 0 : i32
      %add3A_121 = arith.addi %mul3A_116, %add3A_120 : i32
      %get3A_122 = arith.index_cast %add3A_121 : i32 to index
      %get3A_123 = tpu.vector_load %arg15[%get3A_122] {strides = array<i32>} : memref<10000xi32, #tpu.memory_space<vmem>>, vector<16xi32>,
      %add3A_124 = arith.constant 0 : i32
      %add3A_125 = arith.addi %mul3A_116, %add3A_124 : i32
      %get3A_126 = arith.index_cast %add3A_125 : i32 to index
      %get3A_127 = tpu.vector_load %arg16[%get3A_126] {strides = array<i32>} : memref<10000xf32, #tpu.memory_space<vmem>>, vector<16xf32>,
      %gather3A = tpu.vector_load_idx %arg12[%get3A_119] : memref<10000xf32, #tpu.memory_space<vmem>>[vector<16xi32>], vector<16xf32>,
      %mul3A_128 = arith.mulf %get3A_127, %gather3A : vector<16xf32>
      tpu.vector_store_idx %arg13[%get3A_123], %mul3A_128 {add = true} : memref<10000xf32, #tpu.memory_space<vmem>>[vector<16xi32>], vector<16xf32>,
      %add3A_129 = arith.constant 16 : i32
      %add3A_130 = arith.addi %mul3A_116, %add3A_129 : i32
      %get3A_131 = arith.index_cast %add3A_130 : i32 to index
      %get3A_132 = tpu.vector_load %arg14[%get3A_131] {strides = array<i32>} : memref<10000xi32, #tpu.memory_space<vmem>>, vector<16xi32>,
      %add3A_133 = arith.constant 16 : i32
      %add3A_134 = arith.addi %mul3A_116, %add3A_133 : i32
      %get3A_135 = arith.index_cast %add3A_134 : i32 to index
      %get3A_136 = tpu.vector_load %arg15[%get3A_135] {strides = array<i32>} : memref<10000xi32, #tpu.memory_space<vmem>>, vector<16xi32>,
      %add3A_137 = arith.constant 16 : i32
      %add3A_138 = arith.addi %mul3A_116, %add3A_137 : i32
      %get3A_139 = arith.index_cast %add3A_138 : i32 to index
      %get3A_140 = tpu.vector_load %arg16[%get3A_139] {strides = array<i32>} : memref<10000xf32, #tpu.memory_space<vmem>>, vector<16xf32>,
      %gather3A_141 = tpu.vector_load_idx %arg12[%get3A_132] : memref<10000xf32, #tpu.memory_space<vmem>>[vector<16xi32>], vector<16xf32>,
      %mul3A_142 = arith.mulf %get3A_140, %gather3A_141 : vector<16xf32>
      tpu.vector_store_idx %arg13[%get3A_136], %mul3A_142 {add = true} : memref<10000xf32, #tpu.memory_space<vmem>>[vector<16xi32>], vector<16xf32>,
      %add3A_143 = arith.constant 32 : i32
      %add3A_144 = arith.addi %mul3A_116, %add3A_143 : i32
      %get3A_145 = arith.index_cast %add3A_144 : i32 to index
      %get3A_146 = tpu.vector_load %arg14[%get3A_145] {strides = array<i32>} : memref<10000xi32, #tpu.memory_space<vmem>>, vector<16xi32>,
      %add3A_147 = arith.constant 32 : i32
      %add3A_148 = arith.addi %mul3A_116, %add3A_147 : i32
      %get3A_149 = arith.index_cast %add3A_148 : i32 to index
      %get3A_150 = tpu.vector_load %arg15[%get3A_149] {strides = array<i32>} : memref<10000xi32, #tpu.memory_space<vmem>>, vector<16xi32>,
      %add3A_151 = arith.constant 32 : i32
      %add3A_152 = arith.addi %mul3A_116, %add3A_151 : i32
      %get3A_153 = arith.index_cast %add3A_152 : i32 to index
      %get3A_154 = tpu.vector_load %arg16[%get3A_153] {strides = array<i32>} : memref<10000xf32, #tpu.memory_space<vmem>>, vector<16xf32>,
      %gather3A_155 = tpu.vector_load_idx %arg12[%get3A_146] : memref<10000xf32, #tpu.memory_space<vmem>>[vector<16xi32>], vector<16xf32>,
      %mul3A_156 = arith.mulf %get3A_154, %gather3A_155 : vector<16xf32>
      tpu.vector_store_idx %arg13[%get3A_150], %mul3A_156 {add = true} : memref<10000xf32, #tpu.memory_space<vmem>>[vector<16xi32>], vector<16xf32>,
      %add3A_157 = arith.constant 48 : i32
      %add3A_158 = arith.addi %mul3A_116, %add3A_157 : i32
      %get3A_159 = arith.index_cast %add3A_158 : i32 to index
      %get3A_160 = tpu.vector_load %arg14[%get3A_159] {strides = array<i32>} : memref<10000xi32, #tpu.memory_space<vmem>>, vector<16xi32>,
      %add3A_161 = arith.constant 48 : i32
      %add3A_162 = arith.addi %mul3A_116, %add3A_161 : i32
      %get3A_163 = arith.index_cast %add3A_162 : i32 to index
      %get3A_164 = tpu.vector_load %arg15[%get3A_163] {strides = array<i32>} : memref<10000xi32, #tpu.memory_space<vmem>>, vector<16xi32>,
      %add3A_165 = arith.constant 48 : i32
      %add3A_166 = arith.addi %mul3A_116, %add3A_165 : i32
      %get3A_167 = arith.index_cast %add3A_166 : i32 to index
      %get3A_168 = tpu.vector_load %arg16[%get3A_167] {strides = array<i32>} : memref<10000xf32, #tpu.memory_space<vmem>>, vector<16xf32>,
      %gather3A_169 = tpu.vector_load_idx %arg12[%get3A_160] : memref<10000xf32, #tpu.memory_space<vmem>>[vector<16xi32>], vector<16xf32>,
      %mul3A_170 = arith.mulf %get3A_168, %gather3A_169 : vector<16xf32>
      tpu.vector_store_idx %arg13[%get3A_164], %mul3A_170 {add = true} : memref<10000xf32, #tpu.memory_space<vmem>>[vector<16xi32>], vector<16xf32>,
      %add3A_171 = arith.constant 64 : i32
      %add3A_172 = arith.addi %mul3A_116, %add3A_171 : i32
      %get3A_173 = arith.index_cast %add3A_172 : i32 to index
      %get3A_174 = tpu.vector_load %arg14[%get3A_173] {strides = array<i32>} : memref<10000xi32, #tpu.memory_space<vmem>>, vector<16xi32>,
      %add3A_175 = arith.constant 64 : i32
      %add3A_176 = arith.addi %mul3A_116, %add3A_175 : i32
      %get3A_177 = arith.index_cast %add3A_176 : i32 to index
      %get3A_178 = tpu.vector_load %arg15[%get3A_177] {strides = array<i32>} : memref<10000xi32, #tpu.memory_space<vmem>>, vector<16xi32>,
      %add3A_179 = arith.constant 64 : i32
      %add3A_180 = arith.addi %mul3A_116, %add3A_179 : i32
      %get3A_181 = arith.index_cast %add3A_180 : i32 to index
      %get3A_182 = tpu.vector_load %arg16[%get3A_181] {strides = array<i32>} : memref<10000xf32, #tpu.memory_space<vmem>>, vector<16xf32>,
      %gather3A_183 = tpu.vector_load_idx %arg12[%get3A_174] : memref<10000xf32, #tpu.memory_space<vmem>>[vector<16xi32>], vector<16xf32>,
      %mul3A_184 = arith.mulf %get3A_182, %gather3A_183 : vector<16xf32>
      tpu.vector_store_idx %arg13[%get3A_178], %mul3A_184 {add = true} : memref<10000xf32, #tpu.memory_space<vmem>>[vector<16xi32>], vector<16xf32>,
    }
    %scan3A_56 = arith.constant 125 : i32
    %add3A_57 = arith.constant 30000 : i32
    %add3A_58 = arith.addi %mul3A_7, %add3A_57 : i32
    "tpu.region"() ({
      %run_scoped3A = tpu.sem_alloc : memref<!tpu.dma_semaphore, #tpu.memory_space<semaphore_mem>>
      %dma_start3A = tpu.memref_slice %arg2[%add3A_58] : memref<320000xi32, #tpu.memory_space<hbm>> -> memref<10000xi32, #tpu.memory_space<hbm>>
      %dma_start3A_114 = tpu.memref_slice %arg2[%add3A_58] : memref<320000xi32, #tpu.memory_space<hbm>> -> memref<10000xi32, #tpu.memory_space<hbm>>
      tpu.enqueue_dma source(%dma_start3A_114 : memref<10000xi32, #tpu.memory_space<hbm>>) target(%arg14 : memref<10000xi32, #tpu.memory_space<vmem>>) target_semaphore(%run_scoped3A : memref<!tpu.dma_semaphore, #tpu.memory_space<semaphore_mem>>)
      %dma_wait3A = tpu.memref_slice %arg2[%add3A_58] : memref<320000xi32, #tpu.memory_space<hbm>> -> memref<10000xi32, #tpu.memory_space<hbm>>
      %dma_wait3A_115 = tpu.memref_slice %arg2[%add3A_58] : memref<320000xi32, #tpu.memory_space<hbm>> -> memref<10000xi32, #tpu.memory_space<hbm>>
      tpu.wait_dma2 semaphore(%run_scoped3A : memref<!tpu.dma_semaphore, #tpu.memory_space<semaphore_mem>>) src(%dma_wait3A_115 : memref<10000xi32, #tpu.memory_space<hbm>>) dst(%arg14 : memref<10000xi32, #tpu.memory_space<vmem>>)
      tpu.yield
    }) : () -> ()
    "tpu.region"() ({
      %run_scoped3A = tpu.sem_alloc : memref<!tpu.dma_semaphore, #tpu.memory_space<semaphore_mem>>
      %dma_start3A = tpu.memref_slice %arg3[%add3A_58] : memref<320000xi32, #tpu.memory_space<hbm>> -> memref<10000xi32, #tpu.memory_space<hbm>>
      %dma_start3A_114 = tpu.memref_slice %arg3[%add3A_58] : memref<320000xi32, #tpu.memory_space<hbm>> -> memref<10000xi32, #tpu.memory_space<hbm>>
      tpu.enqueue_dma source(%dma_start3A_114 : memref<10000xi32, #tpu.memory_space<hbm>>) target(%arg15 : memref<10000xi32, #tpu.memory_space<vmem>>) target_semaphore(%run_scoped3A : memref<!tpu.dma_semaphore, #tpu.memory_space<semaphore_mem>>)
      %dma_wait3A = tpu.memref_slice %arg3[%add3A_58] : memref<320000xi32, #tpu.memory_space<hbm>> -> memref<10000xi32, #tpu.memory_space<hbm>>
      %dma_wait3A_115 = tpu.memref_slice %arg3[%add3A_58] : memref<320000xi32, #tpu.memory_space<hbm>> -> memref<10000xi32, #tpu.memory_space<hbm>>
      tpu.wait_dma2 semaphore(%run_scoped3A : memref<!tpu.dma_semaphore, #tpu.memory_space<semaphore_mem>>) src(%dma_wait3A_115 : memref<10000xi32, #tpu.memory_space<hbm>>) dst(%arg15 : memref<10000xi32, #tpu.memory_space<vmem>>)
      tpu.yield
    }) : () -> ()
    %add3A_59 = arith.constant 30000 : i32
    %add3A_60 = arith.addi %mul3A_11, %add3A_59 : i32
    "tpu.region"() ({
      %run_scoped3A = tpu.sem_alloc : memref<!tpu.dma_semaphore, #tpu.memory_space<semaphore_mem>>
      %dma_start3A = tpu.memref_slice %arg18[%add3A_60] : memref<160000xf32, #tpu.memory_space<vmem_shared>> -> memref<10000xf32, #tpu.memory_space<vmem_shared>>
      %dma_start3A_114 = tpu.memref_slice %arg18[%add3A_60] : memref<160000xf32, #tpu.memory_space<vmem_shared>> -> memref<10000xf32, #tpu.memory_space<vmem_shared>>
      tpu.enqueue_dma source(%dma_start3A_114 : memref<10000xf32, #tpu.memory_space<vmem_shared>>) target(%arg16 : memref<10000xf32, #tpu.memory_space<vmem>>) target_semaphore(%run_scoped3A : memref<!tpu.dma_semaphore, #tpu.memory_space<semaphore_mem>>)
      %dma_wait3A = tpu.memref_slice %arg18[%add3A_60] : memref<160000xf32, #tpu.memory_space<vmem_shared>> -> memref<10000xf32, #tpu.memory_space<vmem_shared>>
      %dma_wait3A_115 = tpu.memref_slice %arg18[%add3A_60] : memref<160000xf32, #tpu.memory_space<vmem_shared>> -> memref<10000xf32, #tpu.memory_space<vmem_shared>>
      tpu.wait_dma2 semaphore(%run_scoped3A : memref<!tpu.dma_semaphore, #tpu.memory_space<semaphore_mem>>) src(%dma_wait3A_115 : memref<10000xf32, #tpu.memory_space<vmem_shared>>) dst(%arg16 : memref<10000xf32, #tpu.memory_space<vmem>>)
      tpu.yield
    }) : () -> ()
    %scan3A_61 = arith.constant 0 : i32
    %scan3A_62 = arith.constant 0 : i32
    %scan3A_63 = arith.constant 125 : i32
    %scan3A_64 = arith.addi %scan3A_62, %scan3A_63 : i32
    %scan3A_65 = arith.constant 1 : i32
    scf.for %scan3A_114 = %scan3A_62 to %scan3A_64 step %scan3A_65  : i32 {
      %mul3A_115 = arith.constant 80 : i32
      %mul3A_116 = arith.muli %scan3A_114, %mul3A_115 : i32
      %add3A_117 = arith.constant 0 : i32
      %add3A_118 = arith.addi %mul3A_116, %add3A_117 : i32
      %get3A = arith.index_cast %add3A_118 : i32 to index
      %get3A_119 = tpu.vector_load %arg14[%get3A] {strides = array<i32>} : memref<10000xi32, #tpu.memory_space<vmem>>, vector<16xi32>,
      %add3A_120 = arith.constant 0 : i32
      %add3A_121 = arith.addi %mul3A_116, %add3A_120 : i32
      %get3A_122 = arith.index_cast %add3A_121 : i32 to index
      %get3A_123 = tpu.vector_load %arg15[%get3A_122] {strides = array<i32>} : memref<10000xi32, #tpu.memory_space<vmem>>, vector<16xi32>,
      %add3A_124 = arith.constant 0 : i32
      %add3A_125 = arith.addi %mul3A_116, %add3A_124 : i32
      %get3A_126 = arith.index_cast %add3A_125 : i32 to index
      %get3A_127 = tpu.vector_load %arg16[%get3A_126] {strides = array<i32>} : memref<10000xf32, #tpu.memory_space<vmem>>, vector<16xf32>,
      %gather3A = tpu.vector_load_idx %arg12[%get3A_119] : memref<10000xf32, #tpu.memory_space<vmem>>[vector<16xi32>], vector<16xf32>,
      %mul3A_128 = arith.mulf %get3A_127, %gather3A : vector<16xf32>
      tpu.vector_store_idx %arg13[%get3A_123], %mul3A_128 {add = true} : memref<10000xf32, #tpu.memory_space<vmem>>[vector<16xi32>], vector<16xf32>,
      %add3A_129 = arith.constant 16 : i32
      %add3A_130 = arith.addi %mul3A_116, %add3A_129 : i32
      %get3A_131 = arith.index_cast %add3A_130 : i32 to index
      %get3A_132 = tpu.vector_load %arg14[%get3A_131] {strides = array<i32>} : memref<10000xi32, #tpu.memory_space<vmem>>, vector<16xi32>,
      %add3A_133 = arith.constant 16 : i32
      %add3A_134 = arith.addi %mul3A_116, %add3A_133 : i32
      %get3A_135 = arith.index_cast %add3A_134 : i32 to index
      %get3A_136 = tpu.vector_load %arg15[%get3A_135] {strides = array<i32>} : memref<10000xi32, #tpu.memory_space<vmem>>, vector<16xi32>,
      %add3A_137 = arith.constant 16 : i32
      %add3A_138 = arith.addi %mul3A_116, %add3A_137 : i32
      %get3A_139 = arith.index_cast %add3A_138 : i32 to index
      %get3A_140 = tpu.vector_load %arg16[%get3A_139] {strides = array<i32>} : memref<10000xf32, #tpu.memory_space<vmem>>, vector<16xf32>,
      %gather3A_141 = tpu.vector_load_idx %arg12[%get3A_132] : memref<10000xf32, #tpu.memory_space<vmem>>[vector<16xi32>], vector<16xf32>,
      %mul3A_142 = arith.mulf %get3A_140, %gather3A_141 : vector<16xf32>
      tpu.vector_store_idx %arg13[%get3A_136], %mul3A_142 {add = true} : memref<10000xf32, #tpu.memory_space<vmem>>[vector<16xi32>], vector<16xf32>,
      %add3A_143 = arith.constant 32 : i32
      %add3A_144 = arith.addi %mul3A_116, %add3A_143 : i32
      %get3A_145 = arith.index_cast %add3A_144 : i32 to index
      %get3A_146 = tpu.vector_load %arg14[%get3A_145] {strides = array<i32>} : memref<10000xi32, #tpu.memory_space<vmem>>, vector<16xi32>,
      %add3A_147 = arith.constant 32 : i32
      %add3A_148 = arith.addi %mul3A_116, %add3A_147 : i32
      %get3A_149 = arith.index_cast %add3A_148 : i32 to index
      %get3A_150 = tpu.vector_load %arg15[%get3A_149] {strides = array<i32>} : memref<10000xi32, #tpu.memory_space<vmem>>, vector<16xi32>,
      %add3A_151 = arith.constant 32 : i32
      %add3A_152 = arith.addi %mul3A_116, %add3A_151 : i32
      %get3A_153 = arith.index_cast %add3A_152 : i32 to index
      %get3A_154 = tpu.vector_load %arg16[%get3A_153] {strides = array<i32>} : memref<10000xf32, #tpu.memory_space<vmem>>, vector<16xf32>,
      %gather3A_155 = tpu.vector_load_idx %arg12[%get3A_146] : memref<10000xf32, #tpu.memory_space<vmem>>[vector<16xi32>], vector<16xf32>,
      %mul3A_156 = arith.mulf %get3A_154, %gather3A_155 : vector<16xf32>
      tpu.vector_store_idx %arg13[%get3A_150], %mul3A_156 {add = true} : memref<10000xf32, #tpu.memory_space<vmem>>[vector<16xi32>], vector<16xf32>,
      %add3A_157 = arith.constant 48 : i32
      %add3A_158 = arith.addi %mul3A_116, %add3A_157 : i32
      %get3A_159 = arith.index_cast %add3A_158 : i32 to index
      %get3A_160 = tpu.vector_load %arg14[%get3A_159] {strides = array<i32>} : memref<10000xi32, #tpu.memory_space<vmem>>, vector<16xi32>,
      %add3A_161 = arith.constant 48 : i32
      %add3A_162 = arith.addi %mul3A_116, %add3A_161 : i32
      %get3A_163 = arith.index_cast %add3A_162 : i32 to index
      %get3A_164 = tpu.vector_load %arg15[%get3A_163] {strides = array<i32>} : memref<10000xi32, #tpu.memory_space<vmem>>, vector<16xi32>,
      %add3A_165 = arith.constant 48 : i32
      %add3A_166 = arith.addi %mul3A_116, %add3A_165 : i32
      %get3A_167 = arith.index_cast %add3A_166 : i32 to index
      %get3A_168 = tpu.vector_load %arg16[%get3A_167] {strides = array<i32>} : memref<10000xf32, #tpu.memory_space<vmem>>, vector<16xf32>,
      %gather3A_169 = tpu.vector_load_idx %arg12[%get3A_160] : memref<10000xf32, #tpu.memory_space<vmem>>[vector<16xi32>], vector<16xf32>,
      %mul3A_170 = arith.mulf %get3A_168, %gather3A_169 : vector<16xf32>
      tpu.vector_store_idx %arg13[%get3A_164], %mul3A_170 {add = true} : memref<10000xf32, #tpu.memory_space<vmem>>[vector<16xi32>], vector<16xf32>,
      %add3A_171 = arith.constant 64 : i32
      %add3A_172 = arith.addi %mul3A_116, %add3A_171 : i32
      %get3A_173 = arith.index_cast %add3A_172 : i32 to index
      %get3A_174 = tpu.vector_load %arg14[%get3A_173] {strides = array<i32>} : memref<10000xi32, #tpu.memory_space<vmem>>, vector<16xi32>,
      %add3A_175 = arith.constant 64 : i32
      %add3A_176 = arith.addi %mul3A_116, %add3A_175 : i32
      %get3A_177 = arith.index_cast %add3A_176 : i32 to index
      %get3A_178 = tpu.vector_load %arg15[%get3A_177] {strides = array<i32>} : memref<10000xi32, #tpu.memory_space<vmem>>, vector<16xi32>,
      %add3A_179 = arith.constant 64 : i32
      %add3A_180 = arith.addi %mul3A_116, %add3A_179 : i32
      %get3A_181 = arith.index_cast %add3A_180 : i32 to index
      %get3A_182 = tpu.vector_load %arg16[%get3A_181] {strides = array<i32>} : memref<10000xf32, #tpu.memory_space<vmem>>, vector<16xf32>,
      %gather3A_183 = tpu.vector_load_idx %arg12[%get3A_174] : memref<10000xf32, #tpu.memory_space<vmem>>[vector<16xi32>], vector<16xf32>,
      %mul3A_184 = arith.mulf %get3A_182, %gather3A_183 : vector<16xf32>
      tpu.vector_store_idx %arg13[%get3A_178], %mul3A_184 {add = true} : memref<10000xf32, #tpu.memory_space<vmem>>[vector<16xi32>], vector<16xf32>,
    }
    %scan3A_66 = arith.constant 125 : i32
    %add3A_67 = arith.constant 40000 : i32
    %add3A_68 = arith.addi %mul3A_7, %add3A_67 : i32
    "tpu.region"() ({
      %run_scoped3A = tpu.sem_alloc : memref<!tpu.dma_semaphore, #tpu.memory_space<semaphore_mem>>
      %dma_start3A = tpu.memref_slice %arg2[%add3A_68] : memref<320000xi32, #tpu.memory_space<hbm>> -> memref<10000xi32, #tpu.memory_space<hbm>>
      %dma_start3A_114 = tpu.memref_slice %arg2[%add3A_68] : memref<320000xi32, #tpu.memory_space<hbm>> -> memref<10000xi32, #tpu.memory_space<hbm>>
      tpu.enqueue_dma source(%dma_start3A_114 : memref<10000xi32, #tpu.memory_space<hbm>>) target(%arg14 : memref<10000xi32, #tpu.memory_space<vmem>>) target_semaphore(%run_scoped3A : memref<!tpu.dma_semaphore, #tpu.memory_space<semaphore_mem>>)
      %dma_wait3A = tpu.memref_slice %arg2[%add3A_68] : memref<320000xi32, #tpu.memory_space<hbm>> -> memref<10000xi32, #tpu.memory_space<hbm>>
      %dma_wait3A_115 = tpu.memref_slice %arg2[%add3A_68] : memref<320000xi32, #tpu.memory_space<hbm>> -> memref<10000xi32, #tpu.memory_space<hbm>>
      tpu.wait_dma2 semaphore(%run_scoped3A : memref<!tpu.dma_semaphore, #tpu.memory_space<semaphore_mem>>) src(%dma_wait3A_115 : memref<10000xi32, #tpu.memory_space<hbm>>) dst(%arg14 : memref<10000xi32, #tpu.memory_space<vmem>>)
      tpu.yield
    }) : () -> ()
    "tpu.region"() ({
      %run_scoped3A = tpu.sem_alloc : memref<!tpu.dma_semaphore, #tpu.memory_space<semaphore_mem>>
      %dma_start3A = tpu.memref_slice %arg3[%add3A_68] : memref<320000xi32, #tpu.memory_space<hbm>> -> memref<10000xi32, #tpu.memory_space<hbm>>
      %dma_start3A_114 = tpu.memref_slice %arg3[%add3A_68] : memref<320000xi32, #tpu.memory_space<hbm>> -> memref<10000xi32, #tpu.memory_space<hbm>>
      tpu.enqueue_dma source(%dma_start3A_114 : memref<10000xi32, #tpu.memory_space<hbm>>) target(%arg15 : memref<10000xi32, #tpu.memory_space<vmem>>) target_semaphore(%run_scoped3A : memref<!tpu.dma_semaphore, #tpu.memory_space<semaphore_mem>>)
      %dma_wait3A = tpu.memref_slice %arg3[%add3A_68] : memref<320000xi32, #tpu.memory_space<hbm>> -> memref<10000xi32, #tpu.memory_space<hbm>>
      %dma_wait3A_115 = tpu.memref_slice %arg3[%add3A_68] : memref<320000xi32, #tpu.memory_space<hbm>> -> memref<10000xi32, #tpu.memory_space<hbm>>
      tpu.wait_dma2 semaphore(%run_scoped3A : memref<!tpu.dma_semaphore, #tpu.memory_space<semaphore_mem>>) src(%dma_wait3A_115 : memref<10000xi32, #tpu.memory_space<hbm>>) dst(%arg15 : memref<10000xi32, #tpu.memory_space<vmem>>)
      tpu.yield
    }) : () -> ()
    %add3A_69 = arith.constant 40000 : i32
    %add3A_70 = arith.addi %mul3A_11, %add3A_69 : i32
    "tpu.region"() ({
      %run_scoped3A = tpu.sem_alloc : memref<!tpu.dma_semaphore, #tpu.memory_space<semaphore_mem>>
      %dma_start3A = tpu.memref_slice %arg18[%add3A_70] : memref<160000xf32, #tpu.memory_space<vmem_shared>> -> memref<10000xf32, #tpu.memory_space<vmem_shared>>
      %dma_start3A_114 = tpu.memref_slice %arg18[%add3A_70] : memref<160000xf32, #tpu.memory_space<vmem_shared>> -> memref<10000xf32, #tpu.memory_space<vmem_shared>>
      tpu.enqueue_dma source(%dma_start3A_114 : memref<10000xf32, #tpu.memory_space<vmem_shared>>) target(%arg16 : memref<10000xf32, #tpu.memory_space<vmem>>) target_semaphore(%run_scoped3A : memref<!tpu.dma_semaphore, #tpu.memory_space<semaphore_mem>>)
      %dma_wait3A = tpu.memref_slice %arg18[%add3A_70] : memref<160000xf32, #tpu.memory_space<vmem_shared>> -> memref<10000xf32, #tpu.memory_space<vmem_shared>>
      %dma_wait3A_115 = tpu.memref_slice %arg18[%add3A_70] : memref<160000xf32, #tpu.memory_space<vmem_shared>> -> memref<10000xf32, #tpu.memory_space<vmem_shared>>
      tpu.wait_dma2 semaphore(%run_scoped3A : memref<!tpu.dma_semaphore, #tpu.memory_space<semaphore_mem>>) src(%dma_wait3A_115 : memref<10000xf32, #tpu.memory_space<vmem_shared>>) dst(%arg16 : memref<10000xf32, #tpu.memory_space<vmem>>)
      tpu.yield
    }) : () -> ()
    %scan3A_71 = arith.constant 0 : i32
    %scan3A_72 = arith.constant 0 : i32
    %scan3A_73 = arith.constant 125 : i32
    %scan3A_74 = arith.addi %scan3A_72, %scan3A_73 : i32
    %scan3A_75 = arith.constant 1 : i32
    scf.for %scan3A_114 = %scan3A_72 to %scan3A_74 step %scan3A_75  : i32 {
      %mul3A_115 = arith.constant 80 : i32
      %mul3A_116 = arith.muli %scan3A_114, %mul3A_115 : i32
      %add3A_117 = arith.constant 0 : i32
      %add3A_118 = arith.addi %mul3A_116, %add3A_117 : i32
      %get3A = arith.index_cast %add3A_118 : i32 to index
      %get3A_119 = tpu.vector_load %arg14[%get3A] {strides = array<i32>} : memref<10000xi32, #tpu.memory_space<vmem>>, vector<16xi32>,
      %add3A_120 = arith.constant 0 : i32
      %add3A_121 = arith.addi %mul3A_116, %add3A_120 : i32
      %get3A_122 = arith.index_cast %add3A_121 : i32 to index
      %get3A_123 = tpu.vector_load %arg15[%get3A_122] {strides = array<i32>} : memref<10000xi32, #tpu.memory_space<vmem>>, vector<16xi32>,
      %add3A_124 = arith.constant 0 : i32
      %add3A_125 = arith.addi %mul3A_116, %add3A_124 : i32
      %get3A_126 = arith.index_cast %add3A_125 : i32 to index
      %get3A_127 = tpu.vector_load %arg16[%get3A_126] {strides = array<i32>} : memref<10000xf32, #tpu.memory_space<vmem>>, vector<16xf32>,
      %gather3A = tpu.vector_load_idx %arg12[%get3A_119] : memref<10000xf32, #tpu.memory_space<vmem>>[vector<16xi32>], vector<16xf32>,
      %mul3A_128 = arith.mulf %get3A_127, %gather3A : vector<16xf32>
      tpu.vector_store_idx %arg13[%get3A_123], %mul3A_128 {add = true} : memref<10000xf32, #tpu.memory_space<vmem>>[vector<16xi32>], vector<16xf32>,
      %add3A_129 = arith.constant 16 : i32
      %add3A_130 = arith.addi %mul3A_116, %add3A_129 : i32
      %get3A_131 = arith.index_cast %add3A_130 : i32 to index
      %get3A_132 = tpu.vector_load %arg14[%get3A_131] {strides = array<i32>} : memref<10000xi32, #tpu.memory_space<vmem>>, vector<16xi32>,
      %add3A_133 = arith.constant 16 : i32
      %add3A_134 = arith.addi %mul3A_116, %add3A_133 : i32
      %get3A_135 = arith.index_cast %add3A_134 : i32 to index
      %get3A_136 = tpu.vector_load %arg15[%get3A_135] {strides = array<i32>} : memref<10000xi32, #tpu.memory_space<vmem>>, vector<16xi32>,
      %add3A_137 = arith.constant 16 : i32
      %add3A_138 = arith.addi %mul3A_116, %add3A_137 : i32
      %get3A_139 = arith.index_cast %add3A_138 : i32 to index
      %get3A_140 = tpu.vector_load %arg16[%get3A_139] {strides = array<i32>} : memref<10000xf32, #tpu.memory_space<vmem>>, vector<16xf32>,
      %gather3A_141 = tpu.vector_load_idx %arg12[%get3A_132] : memref<10000xf32, #tpu.memory_space<vmem>>[vector<16xi32>], vector<16xf32>,
      %mul3A_142 = arith.mulf %get3A_140, %gather3A_141 : vector<16xf32>
      tpu.vector_store_idx %arg13[%get3A_136], %mul3A_142 {add = true} : memref<10000xf32, #tpu.memory_space<vmem>>[vector<16xi32>], vector<16xf32>,
      %add3A_143 = arith.constant 32 : i32
      %add3A_144 = arith.addi %mul3A_116, %add3A_143 : i32
      %get3A_145 = arith.index_cast %add3A_144 : i32 to index
      %get3A_146 = tpu.vector_load %arg14[%get3A_145] {strides = array<i32>} : memref<10000xi32, #tpu.memory_space<vmem>>, vector<16xi32>,
      %add3A_147 = arith.constant 32 : i32
      %add3A_148 = arith.addi %mul3A_116, %add3A_147 : i32
      %get3A_149 = arith.index_cast %add3A_148 : i32 to index
      %get3A_150 = tpu.vector_load %arg15[%get3A_149] {strides = array<i32>} : memref<10000xi32, #tpu.memory_space<vmem>>, vector<16xi32>,
      %add3A_151 = arith.constant 32 : i32
      %add3A_152 = arith.addi %mul3A_116, %add3A_151 : i32
      %get3A_153 = arith.index_cast %add3A_152 : i32 to index
      %get3A_154 = tpu.vector_load %arg16[%get3A_153] {strides = array<i32>} : memref<10000xf32, #tpu.memory_space<vmem>>, vector<16xf32>,
      %gather3A_155 = tpu.vector_load_idx %arg12[%get3A_146] : memref<10000xf32, #tpu.memory_space<vmem>>[vector<16xi32>], vector<16xf32>,
      %mul3A_156 = arith.mulf %get3A_154, %gather3A_155 : vector<16xf32>
      tpu.vector_store_idx %arg13[%get3A_150], %mul3A_156 {add = true} : memref<10000xf32, #tpu.memory_space<vmem>>[vector<16xi32>], vector<16xf32>,
      %add3A_157 = arith.constant 48 : i32
      %add3A_158 = arith.addi %mul3A_116, %add3A_157 : i32
      %get3A_159 = arith.index_cast %add3A_158 : i32 to index
      %get3A_160 = tpu.vector_load %arg14[%get3A_159] {strides = array<i32>} : memref<10000xi32, #tpu.memory_space<vmem>>, vector<16xi32>,
      %add3A_161 = arith.constant 48 : i32
      %add3A_162 = arith.addi %mul3A_116, %add3A_161 : i32
      %get3A_163 = arith.index_cast %add3A_162 : i32 to index
      %get3A_164 = tpu.vector_load %arg15[%get3A_163] {strides = array<i32>} : memref<10000xi32, #tpu.memory_space<vmem>>, vector<16xi32>,
      %add3A_165 = arith.constant 48 : i32
      %add3A_166 = arith.addi %mul3A_116, %add3A_165 : i32
      %get3A_167 = arith.index_cast %add3A_166 : i32 to index
      %get3A_168 = tpu.vector_load %arg16[%get3A_167] {strides = array<i32>} : memref<10000xf32, #tpu.memory_space<vmem>>, vector<16xf32>,
      %gather3A_169 = tpu.vector_load_idx %arg12[%get3A_160] : memref<10000xf32, #tpu.memory_space<vmem>>[vector<16xi32>], vector<16xf32>,
      %mul3A_170 = arith.mulf %get3A_168, %gather3A_169 : vector<16xf32>
      tpu.vector_store_idx %arg13[%get3A_164], %mul3A_170 {add = true} : memref<10000xf32, #tpu.memory_space<vmem>>[vector<16xi32>], vector<16xf32>,
      %add3A_171 = arith.constant 64 : i32
      %add3A_172 = arith.addi %mul3A_116, %add3A_171 : i32
      %get3A_173 = arith.index_cast %add3A_172 : i32 to index
      %get3A_174 = tpu.vector_load %arg14[%get3A_173] {strides = array<i32>} : memref<10000xi32, #tpu.memory_space<vmem>>, vector<16xi32>,
      %add3A_175 = arith.constant 64 : i32
      %add3A_176 = arith.addi %mul3A_116, %add3A_175 : i32
      %get3A_177 = arith.index_cast %add3A_176 : i32 to index
      %get3A_178 = tpu.vector_load %arg15[%get3A_177] {strides = array<i32>} : memref<10000xi32, #tpu.memory_space<vmem>>, vector<16xi32>,
      %add3A_179 = arith.constant 64 : i32
      %add3A_180 = arith.addi %mul3A_116, %add3A_179 : i32
      %get3A_181 = arith.index_cast %add3A_180 : i32 to index
      %get3A_182 = tpu.vector_load %arg16[%get3A_181] {strides = array<i32>} : memref<10000xf32, #tpu.memory_space<vmem>>, vector<16xf32>,
      %gather3A_183 = tpu.vector_load_idx %arg12[%get3A_174] : memref<10000xf32, #tpu.memory_space<vmem>>[vector<16xi32>], vector<16xf32>,
      %mul3A_184 = arith.mulf %get3A_182, %gather3A_183 : vector<16xf32>
      tpu.vector_store_idx %arg13[%get3A_178], %mul3A_184 {add = true} : memref<10000xf32, #tpu.memory_space<vmem>>[vector<16xi32>], vector<16xf32>,
    }
    %scan3A_76 = arith.constant 125 : i32
    %add3A_77 = arith.constant 50000 : i32
    %add3A_78 = arith.addi %mul3A_7, %add3A_77 : i32
    "tpu.region"() ({
      %run_scoped3A = tpu.sem_alloc : memref<!tpu.dma_semaphore, #tpu.memory_space<semaphore_mem>>
      %dma_start3A = tpu.memref_slice %arg2[%add3A_78] : memref<320000xi32, #tpu.memory_space<hbm>> -> memref<10000xi32, #tpu.memory_space<hbm>>
      %dma_start3A_114 = tpu.memref_slice %arg2[%add3A_78] : memref<320000xi32, #tpu.memory_space<hbm>> -> memref<10000xi32, #tpu.memory_space<hbm>>
      tpu.enqueue_dma source(%dma_start3A_114 : memref<10000xi32, #tpu.memory_space<hbm>>) target(%arg14 : memref<10000xi32, #tpu.memory_space<vmem>>) target_semaphore(%run_scoped3A : memref<!tpu.dma_semaphore, #tpu.memory_space<semaphore_mem>>)
      %dma_wait3A = tpu.memref_slice %arg2[%add3A_78] : memref<320000xi32, #tpu.memory_space<hbm>> -> memref<10000xi32, #tpu.memory_space<hbm>>
      %dma_wait3A_115 = tpu.memref_slice %arg2[%add3A_78] : memref<320000xi32, #tpu.memory_space<hbm>> -> memref<10000xi32, #tpu.memory_space<hbm>>
      tpu.wait_dma2 semaphore(%run_scoped3A : memref<!tpu.dma_semaphore, #tpu.memory_space<semaphore_mem>>) src(%dma_wait3A_115 : memref<10000xi32, #tpu.memory_space<hbm>>) dst(%arg14 : memref<10000xi32, #tpu.memory_space<vmem>>)
      tpu.yield
    }) : () -> ()
    "tpu.region"() ({
      %run_scoped3A = tpu.sem_alloc : memref<!tpu.dma_semaphore, #tpu.memory_space<semaphore_mem>>
      %dma_start3A = tpu.memref_slice %arg3[%add3A_78] : memref<320000xi32, #tpu.memory_space<hbm>> -> memref<10000xi32, #tpu.memory_space<hbm>>
      %dma_start3A_114 = tpu.memref_slice %arg3[%add3A_78] : memref<320000xi32, #tpu.memory_space<hbm>> -> memref<10000xi32, #tpu.memory_space<hbm>>
      tpu.enqueue_dma source(%dma_start3A_114 : memref<10000xi32, #tpu.memory_space<hbm>>) target(%arg15 : memref<10000xi32, #tpu.memory_space<vmem>>) target_semaphore(%run_scoped3A : memref<!tpu.dma_semaphore, #tpu.memory_space<semaphore_mem>>)
      %dma_wait3A = tpu.memref_slice %arg3[%add3A_78] : memref<320000xi32, #tpu.memory_space<hbm>> -> memref<10000xi32, #tpu.memory_space<hbm>>
      %dma_wait3A_115 = tpu.memref_slice %arg3[%add3A_78] : memref<320000xi32, #tpu.memory_space<hbm>> -> memref<10000xi32, #tpu.memory_space<hbm>>
      tpu.wait_dma2 semaphore(%run_scoped3A : memref<!tpu.dma_semaphore, #tpu.memory_space<semaphore_mem>>) src(%dma_wait3A_115 : memref<10000xi32, #tpu.memory_space<hbm>>) dst(%arg15 : memref<10000xi32, #tpu.memory_space<vmem>>)
      tpu.yield
    }) : () -> ()
    %add3A_79 = arith.constant 50000 : i32
    %add3A_80 = arith.addi %mul3A_11, %add3A_79 : i32
    "tpu.region"() ({
      %run_scoped3A = tpu.sem_alloc : memref<!tpu.dma_semaphore, #tpu.memory_space<semaphore_mem>>
      %dma_start3A = tpu.memref_slice %arg18[%add3A_80] : memref<160000xf32, #tpu.memory_space<vmem_shared>> -> memref<10000xf32, #tpu.memory_space<vmem_shared>>
      %dma_start3A_114 = tpu.memref_slice %arg18[%add3A_80] : memref<160000xf32, #tpu.memory_space<vmem_shared>> -> memref<10000xf32, #tpu.memory_space<vmem_shared>>
      tpu.enqueue_dma source(%dma_start3A_114 : memref<10000xf32, #tpu.memory_space<vmem_shared>>) target(%arg16 : memref<10000xf32, #tpu.memory_space<vmem>>) target_semaphore(%run_scoped3A : memref<!tpu.dma_semaphore, #tpu.memory_space<semaphore_mem>>)
      %dma_wait3A = tpu.memref_slice %arg18[%add3A_80] : memref<160000xf32, #tpu.memory_space<vmem_shared>> -> memref<10000xf32, #tpu.memory_space<vmem_shared>>
      %dma_wait3A_115 = tpu.memref_slice %arg18[%add3A_80] : memref<160000xf32, #tpu.memory_space<vmem_shared>> -> memref<10000xf32, #tpu.memory_space<vmem_shared>>
      tpu.wait_dma2 semaphore(%run_scoped3A : memref<!tpu.dma_semaphore, #tpu.memory_space<semaphore_mem>>) src(%dma_wait3A_115 : memref<10000xf32, #tpu.memory_space<vmem_shared>>) dst(%arg16 : memref<10000xf32, #tpu.memory_space<vmem>>)
      tpu.yield
    }) : () -> ()
    %scan3A_81 = arith.constant 0 : i32
    %scan3A_82 = arith.constant 0 : i32
    %scan3A_83 = arith.constant 125 : i32
    %scan3A_84 = arith.addi %scan3A_82, %scan3A_83 : i32
    %scan3A_85 = arith.constant 1 : i32
    scf.for %scan3A_114 = %scan3A_82 to %scan3A_84 step %scan3A_85  : i32 {
      %mul3A_115 = arith.constant 80 : i32
      %mul3A_116 = arith.muli %scan3A_114, %mul3A_115 : i32
      %add3A_117 = arith.constant 0 : i32
      %add3A_118 = arith.addi %mul3A_116, %add3A_117 : i32
      %get3A = arith.index_cast %add3A_118 : i32 to index
      %get3A_119 = tpu.vector_load %arg14[%get3A] {strides = array<i32>} : memref<10000xi32, #tpu.memory_space<vmem>>, vector<16xi32>,
      %add3A_120 = arith.constant 0 : i32
      %add3A_121 = arith.addi %mul3A_116, %add3A_120 : i32
      %get3A_122 = arith.index_cast %add3A_121 : i32 to index
      %get3A_123 = tpu.vector_load %arg15[%get3A_122] {strides = array<i32>} : memref<10000xi32, #tpu.memory_space<vmem>>, vector<16xi32>,
      %add3A_124 = arith.constant 0 : i32
      %add3A_125 = arith.addi %mul3A_116, %add3A_124 : i32
      %get3A_126 = arith.index_cast %add3A_125 : i32 to index
      %get3A_127 = tpu.vector_load %arg16[%get3A_126] {strides = array<i32>} : memref<10000xf32, #tpu.memory_space<vmem>>, vector<16xf32>,
      %gather3A = tpu.vector_load_idx %arg12[%get3A_119] : memref<10000xf32, #tpu.memory_space<vmem>>[vector<16xi32>], vector<16xf32>,
      %mul3A_128 = arith.mulf %get3A_127, %gather3A : vector<16xf32>
      tpu.vector_store_idx %arg13[%get3A_123], %mul3A_128 {add = true} : memref<10000xf32, #tpu.memory_space<vmem>>[vector<16xi32>], vector<16xf32>,
      %add3A_129 = arith.constant 16 : i32
      %add3A_130 = arith.addi %mul3A_116, %add3A_129 : i32
      %get3A_131 = arith.index_cast %add3A_130 : i32 to index
      %get3A_132 = tpu.vector_load %arg14[%get3A_131] {strides = array<i32>} : memref<10000xi32, #tpu.memory_space<vmem>>, vector<16xi32>,
      %add3A_133 = arith.constant 16 : i32
      %add3A_134 = arith.addi %mul3A_116, %add3A_133 : i32
      %get3A_135 = arith.index_cast %add3A_134 : i32 to index
      %get3A_136 = tpu.vector_load %arg15[%get3A_135] {strides = array<i32>} : memref<10000xi32, #tpu.memory_space<vmem>>, vector<16xi32>,
      %add3A_137 = arith.constant 16 : i32
      %add3A_138 = arith.addi %mul3A_116, %add3A_137 : i32
      %get3A_139 = arith.index_cast %add3A_138 : i32 to index
      %get3A_140 = tpu.vector_load %arg16[%get3A_139] {strides = array<i32>} : memref<10000xf32, #tpu.memory_space<vmem>>, vector<16xf32>,
      %gather3A_141 = tpu.vector_load_idx %arg12[%get3A_132] : memref<10000xf32, #tpu.memory_space<vmem>>[vector<16xi32>], vector<16xf32>,
      %mul3A_142 = arith.mulf %get3A_140, %gather3A_141 : vector<16xf32>
      tpu.vector_store_idx %arg13[%get3A_136], %mul3A_142 {add = true} : memref<10000xf32, #tpu.memory_space<vmem>>[vector<16xi32>], vector<16xf32>,
      %add3A_143 = arith.constant 32 : i32
      %add3A_144 = arith.addi %mul3A_116, %add3A_143 : i32
      %get3A_145 = arith.index_cast %add3A_144 : i32 to index
      %get3A_146 = tpu.vector_load %arg14[%get3A_145] {strides = array<i32>} : memref<10000xi32, #tpu.memory_space<vmem>>, vector<16xi32>,
      %add3A_147 = arith.constant 32 : i32
      %add3A_148 = arith.addi %mul3A_116, %add3A_147 : i32
      %get3A_149 = arith.index_cast %add3A_148 : i32 to index
      %get3A_150 = tpu.vector_load %arg15[%get3A_149] {strides = array<i32>} : memref<10000xi32, #tpu.memory_space<vmem>>, vector<16xi32>,
      %add3A_151 = arith.constant 32 : i32
      %add3A_152 = arith.addi %mul3A_116, %add3A_151 : i32
      %get3A_153 = arith.index_cast %add3A_152 : i32 to index
      %get3A_154 = tpu.vector_load %arg16[%get3A_153] {strides = array<i32>} : memref<10000xf32, #tpu.memory_space<vmem>>, vector<16xf32>,
      %gather3A_155 = tpu.vector_load_idx %arg12[%get3A_146] : memref<10000xf32, #tpu.memory_space<vmem>>[vector<16xi32>], vector<16xf32>,
      %mul3A_156 = arith.mulf %get3A_154, %gather3A_155 : vector<16xf32>
      tpu.vector_store_idx %arg13[%get3A_150], %mul3A_156 {add = true} : memref<10000xf32, #tpu.memory_space<vmem>>[vector<16xi32>], vector<16xf32>,
      %add3A_157 = arith.constant 48 : i32
      %add3A_158 = arith.addi %mul3A_116, %add3A_157 : i32
      %get3A_159 = arith.index_cast %add3A_158 : i32 to index
      %get3A_160 = tpu.vector_load %arg14[%get3A_159] {strides = array<i32>} : memref<10000xi32, #tpu.memory_space<vmem>>, vector<16xi32>,
      %add3A_161 = arith.constant 48 : i32
      %add3A_162 = arith.addi %mul3A_116, %add3A_161 : i32
      %get3A_163 = arith.index_cast %add3A_162 : i32 to index
      %get3A_164 = tpu.vector_load %arg15[%get3A_163] {strides = array<i32>} : memref<10000xi32, #tpu.memory_space<vmem>>, vector<16xi32>,
      %add3A_165 = arith.constant 48 : i32
      %add3A_166 = arith.addi %mul3A_116, %add3A_165 : i32
      %get3A_167 = arith.index_cast %add3A_166 : i32 to index
      %get3A_168 = tpu.vector_load %arg16[%get3A_167] {strides = array<i32>} : memref<10000xf32, #tpu.memory_space<vmem>>, vector<16xf32>,
      %gather3A_169 = tpu.vector_load_idx %arg12[%get3A_160] : memref<10000xf32, #tpu.memory_space<vmem>>[vector<16xi32>], vector<16xf32>,
      %mul3A_170 = arith.mulf %get3A_168, %gather3A_169 : vector<16xf32>
      tpu.vector_store_idx %arg13[%get3A_164], %mul3A_170 {add = true} : memref<10000xf32, #tpu.memory_space<vmem>>[vector<16xi32>], vector<16xf32>,
      %add3A_171 = arith.constant 64 : i32
      %add3A_172 = arith.addi %mul3A_116, %add3A_171 : i32
      %get3A_173 = arith.index_cast %add3A_172 : i32 to index
      %get3A_174 = tpu.vector_load %arg14[%get3A_173] {strides = array<i32>} : memref<10000xi32, #tpu.memory_space<vmem>>, vector<16xi32>,
      %add3A_175 = arith.constant 64 : i32
      %add3A_176 = arith.addi %mul3A_116, %add3A_175 : i32
      %get3A_177 = arith.index_cast %add3A_176 : i32 to index
      %get3A_178 = tpu.vector_load %arg15[%get3A_177] {strides = array<i32>} : memref<10000xi32, #tpu.memory_space<vmem>>, vector<16xi32>,
      %add3A_179 = arith.constant 64 : i32
      %add3A_180 = arith.addi %mul3A_116, %add3A_179 : i32
      %get3A_181 = arith.index_cast %add3A_180 : i32 to index
      %get3A_182 = tpu.vector_load %arg16[%get3A_181] {strides = array<i32>} : memref<10000xf32, #tpu.memory_space<vmem>>, vector<16xf32>,
      %gather3A_183 = tpu.vector_load_idx %arg12[%get3A_174] : memref<10000xf32, #tpu.memory_space<vmem>>[vector<16xi32>], vector<16xf32>,
      %mul3A_184 = arith.mulf %get3A_182, %gather3A_183 : vector<16xf32>
      tpu.vector_store_idx %arg13[%get3A_178], %mul3A_184 {add = true} : memref<10000xf32, #tpu.memory_space<vmem>>[vector<16xi32>], vector<16xf32>,
    }
    %scan3A_86 = arith.constant 125 : i32
    %add3A_87 = arith.constant 60000 : i32
    %add3A_88 = arith.addi %mul3A_7, %add3A_87 : i32
    "tpu.region"() ({
      %run_scoped3A = tpu.sem_alloc : memref<!tpu.dma_semaphore, #tpu.memory_space<semaphore_mem>>
      %dma_start3A = tpu.memref_slice %arg2[%add3A_88] : memref<320000xi32, #tpu.memory_space<hbm>> -> memref<10000xi32, #tpu.memory_space<hbm>>
      %dma_start3A_114 = tpu.memref_slice %arg2[%add3A_88] : memref<320000xi32, #tpu.memory_space<hbm>> -> memref<10000xi32, #tpu.memory_space<hbm>>
      tpu.enqueue_dma source(%dma_start3A_114 : memref<10000xi32, #tpu.memory_space<hbm>>) target(%arg14 : memref<10000xi32, #tpu.memory_space<vmem>>) target_semaphore(%run_scoped3A : memref<!tpu.dma_semaphore, #tpu.memory_space<semaphore_mem>>)
      %dma_wait3A = tpu.memref_slice %arg2[%add3A_88] : memref<320000xi32, #tpu.memory_space<hbm>> -> memref<10000xi32, #tpu.memory_space<hbm>>
      %dma_wait3A_115 = tpu.memref_slice %arg2[%add3A_88] : memref<320000xi32, #tpu.memory_space<hbm>> -> memref<10000xi32, #tpu.memory_space<hbm>>
      tpu.wait_dma2 semaphore(%run_scoped3A : memref<!tpu.dma_semaphore, #tpu.memory_space<semaphore_mem>>) src(%dma_wait3A_115 : memref<10000xi32, #tpu.memory_space<hbm>>) dst(%arg14 : memref<10000xi32, #tpu.memory_space<vmem>>)
      tpu.yield
    }) : () -> ()
    "tpu.region"() ({
      %run_scoped3A = tpu.sem_alloc : memref<!tpu.dma_semaphore, #tpu.memory_space<semaphore_mem>>
      %dma_start3A = tpu.memref_slice %arg3[%add3A_88] : memref<320000xi32, #tpu.memory_space<hbm>> -> memref<10000xi32, #tpu.memory_space<hbm>>
      %dma_start3A_114 = tpu.memref_slice %arg3[%add3A_88] : memref<320000xi32, #tpu.memory_space<hbm>> -> memref<10000xi32, #tpu.memory_space<hbm>>
      tpu.enqueue_dma source(%dma_start3A_114 : memref<10000xi32, #tpu.memory_space<hbm>>) target(%arg15 : memref<10000xi32, #tpu.memory_space<vmem>>) target_semaphore(%run_scoped3A : memref<!tpu.dma_semaphore, #tpu.memory_space<semaphore_mem>>)
      %dma_wait3A = tpu.memref_slice %arg3[%add3A_88] : memref<320000xi32, #tpu.memory_space<hbm>> -> memref<10000xi32, #tpu.memory_space<hbm>>
      %dma_wait3A_115 = tpu.memref_slice %arg3[%add3A_88] : memref<320000xi32, #tpu.memory_space<hbm>> -> memref<10000xi32, #tpu.memory_space<hbm>>
      tpu.wait_dma2 semaphore(%run_scoped3A : memref<!tpu.dma_semaphore, #tpu.memory_space<semaphore_mem>>) src(%dma_wait3A_115 : memref<10000xi32, #tpu.memory_space<hbm>>) dst(%arg15 : memref<10000xi32, #tpu.memory_space<vmem>>)
      tpu.yield
    }) : () -> ()
    %add3A_89 = arith.constant 60000 : i32
    %add3A_90 = arith.addi %mul3A_11, %add3A_89 : i32
    "tpu.region"() ({
      %run_scoped3A = tpu.sem_alloc : memref<!tpu.dma_semaphore, #tpu.memory_space<semaphore_mem>>
      %dma_start3A = tpu.memref_slice %arg18[%add3A_90] : memref<160000xf32, #tpu.memory_space<vmem_shared>> -> memref<10000xf32, #tpu.memory_space<vmem_shared>>
      %dma_start3A_114 = tpu.memref_slice %arg18[%add3A_90] : memref<160000xf32, #tpu.memory_space<vmem_shared>> -> memref<10000xf32, #tpu.memory_space<vmem_shared>>
      tpu.enqueue_dma source(%dma_start3A_114 : memref<10000xf32, #tpu.memory_space<vmem_shared>>) target(%arg16 : memref<10000xf32, #tpu.memory_space<vmem>>) target_semaphore(%run_scoped3A : memref<!tpu.dma_semaphore, #tpu.memory_space<semaphore_mem>>)
      %dma_wait3A = tpu.memref_slice %arg18[%add3A_90] : memref<160000xf32, #tpu.memory_space<vmem_shared>> -> memref<10000xf32, #tpu.memory_space<vmem_shared>>
      %dma_wait3A_115 = tpu.memref_slice %arg18[%add3A_90] : memref<160000xf32, #tpu.memory_space<vmem_shared>> -> memref<10000xf32, #tpu.memory_space<vmem_shared>>
      tpu.wait_dma2 semaphore(%run_scoped3A : memref<!tpu.dma_semaphore, #tpu.memory_space<semaphore_mem>>) src(%dma_wait3A_115 : memref<10000xf32, #tpu.memory_space<vmem_shared>>) dst(%arg16 : memref<10000xf32, #tpu.memory_space<vmem>>)
      tpu.yield
    }) : () -> ()
    %scan3A_91 = arith.constant 0 : i32
    %scan3A_92 = arith.constant 0 : i32
    %scan3A_93 = arith.constant 125 : i32
    %scan3A_94 = arith.addi %scan3A_92, %scan3A_93 : i32
    %scan3A_95 = arith.constant 1 : i32
    scf.for %scan3A_114 = %scan3A_92 to %scan3A_94 step %scan3A_95  : i32 {
      %mul3A_115 = arith.constant 80 : i32
      %mul3A_116 = arith.muli %scan3A_114, %mul3A_115 : i32
      %add3A_117 = arith.constant 0 : i32
      %add3A_118 = arith.addi %mul3A_116, %add3A_117 : i32
      %get3A = arith.index_cast %add3A_118 : i32 to index
      %get3A_119 = tpu.vector_load %arg14[%get3A] {strides = array<i32>} : memref<10000xi32, #tpu.memory_space<vmem>>, vector<16xi32>,
      %add3A_120 = arith.constant 0 : i32
      %add3A_121 = arith.addi %mul3A_116, %add3A_120 : i32
      %get3A_122 = arith.index_cast %add3A_121 : i32 to index
      %get3A_123 = tpu.vector_load %arg15[%get3A_122] {strides = array<i32>} : memref<10000xi32, #tpu.memory_space<vmem>>, vector<16xi32>,
      %add3A_124 = arith.constant 0 : i32
      %add3A_125 = arith.addi %mul3A_116, %add3A_124 : i32
      %get3A_126 = arith.index_cast %add3A_125 : i32 to index
      %get3A_127 = tpu.vector_load %arg16[%get3A_126] {strides = array<i32>} : memref<10000xf32, #tpu.memory_space<vmem>>, vector<16xf32>,
      %gather3A = tpu.vector_load_idx %arg12[%get3A_119] : memref<10000xf32, #tpu.memory_space<vmem>>[vector<16xi32>], vector<16xf32>,
      %mul3A_128 = arith.mulf %get3A_127, %gather3A : vector<16xf32>
      tpu.vector_store_idx %arg13[%get3A_123], %mul3A_128 {add = true} : memref<10000xf32, #tpu.memory_space<vmem>>[vector<16xi32>], vector<16xf32>,
      %add3A_129 = arith.constant 16 : i32
      %add3A_130 = arith.addi %mul3A_116, %add3A_129 : i32
      %get3A_131 = arith.index_cast %add3A_130 : i32 to index
      %get3A_132 = tpu.vector_load %arg14[%get3A_131] {strides = array<i32>} : memref<10000xi32, #tpu.memory_space<vmem>>, vector<16xi32>,
      %add3A_133 = arith.constant 16 : i32
      %add3A_134 = arith.addi %mul3A_116, %add3A_133 : i32
      %get3A_135 = arith.index_cast %add3A_134 : i32 to index
      %get3A_136 = tpu.vector_load %arg15[%get3A_135] {strides = array<i32>} : memref<10000xi32, #tpu.memory_space<vmem>>, vector<16xi32>,
      %add3A_137 = arith.constant 16 : i32
      %add3A_138 = arith.addi %mul3A_116, %add3A_137 : i32
      %get3A_139 = arith.index_cast %add3A_138 : i32 to index
      %get3A_140 = tpu.vector_load %arg16[%get3A_139] {strides = array<i32>} : memref<10000xf32, #tpu.memory_space<vmem>>, vector<16xf32>,
      %gather3A_141 = tpu.vector_load_idx %arg12[%get3A_132] : memref<10000xf32, #tpu.memory_space<vmem>>[vector<16xi32>], vector<16xf32>,
      %mul3A_142 = arith.mulf %get3A_140, %gather3A_141 : vector<16xf32>
      tpu.vector_store_idx %arg13[%get3A_136], %mul3A_142 {add = true} : memref<10000xf32, #tpu.memory_space<vmem>>[vector<16xi32>], vector<16xf32>,
      %add3A_143 = arith.constant 32 : i32
      %add3A_144 = arith.addi %mul3A_116, %add3A_143 : i32
      %get3A_145 = arith.index_cast %add3A_144 : i32 to index
      %get3A_146 = tpu.vector_load %arg14[%get3A_145] {strides = array<i32>} : memref<10000xi32, #tpu.memory_space<vmem>>, vector<16xi32>,
      %add3A_147 = arith.constant 32 : i32
      %add3A_148 = arith.addi %mul3A_116, %add3A_147 : i32
      %get3A_149 = arith.index_cast %add3A_148 : i32 to index
      %get3A_150 = tpu.vector_load %arg15[%get3A_149] {strides = array<i32>} : memref<10000xi32, #tpu.memory_space<vmem>>, vector<16xi32>,
      %add3A_151 = arith.constant 32 : i32
      %add3A_152 = arith.addi %mul3A_116, %add3A_151 : i32
      %get3A_153 = arith.index_cast %add3A_152 : i32 to index
      %get3A_154 = tpu.vector_load %arg16[%get3A_153] {strides = array<i32>} : memref<10000xf32, #tpu.memory_space<vmem>>, vector<16xf32>,
      %gather3A_155 = tpu.vector_load_idx %arg12[%get3A_146] : memref<10000xf32, #tpu.memory_space<vmem>>[vector<16xi32>], vector<16xf32>,
      %mul3A_156 = arith.mulf %get3A_154, %gather3A_155 : vector<16xf32>
      tpu.vector_store_idx %arg13[%get3A_150], %mul3A_156 {add = true} : memref<10000xf32, #tpu.memory_space<vmem>>[vector<16xi32>], vector<16xf32>,
      %add3A_157 = arith.constant 48 : i32
      %add3A_158 = arith.addi %mul3A_116, %add3A_157 : i32
      %get3A_159 = arith.index_cast %add3A_158 : i32 to index
      %get3A_160 = tpu.vector_load %arg14[%get3A_159] {strides = array<i32>} : memref<10000xi32, #tpu.memory_space<vmem>>, vector<16xi32>,
      %add3A_161 = arith.constant 48 : i32
      %add3A_162 = arith.addi %mul3A_116, %add3A_161 : i32
      %get3A_163 = arith.index_cast %add3A_162 : i32 to index
      %get3A_164 = tpu.vector_load %arg15[%get3A_163] {strides = array<i32>} : memref<10000xi32, #tpu.memory_space<vmem>>, vector<16xi32>,
      %add3A_165 = arith.constant 48 : i32
      %add3A_166 = arith.addi %mul3A_116, %add3A_165 : i32
      %get3A_167 = arith.index_cast %add3A_166 : i32 to index
      %get3A_168 = tpu.vector_load %arg16[%get3A_167] {strides = array<i32>} : memref<10000xf32, #tpu.memory_space<vmem>>, vector<16xf32>,
      %gather3A_169 = tpu.vector_load_idx %arg12[%get3A_160] : memref<10000xf32, #tpu.memory_space<vmem>>[vector<16xi32>], vector<16xf32>,
      %mul3A_170 = arith.mulf %get3A_168, %gather3A_169 : vector<16xf32>
      tpu.vector_store_idx %arg13[%get3A_164], %mul3A_170 {add = true} : memref<10000xf32, #tpu.memory_space<vmem>>[vector<16xi32>], vector<16xf32>,
      %add3A_171 = arith.constant 64 : i32
      %add3A_172 = arith.addi %mul3A_116, %add3A_171 : i32
      %get3A_173 = arith.index_cast %add3A_172 : i32 to index
      %get3A_174 = tpu.vector_load %arg14[%get3A_173] {strides = array<i32>} : memref<10000xi32, #tpu.memory_space<vmem>>, vector<16xi32>,
      %add3A_175 = arith.constant 64 : i32
      %add3A_176 = arith.addi %mul3A_116, %add3A_175 : i32
      %get3A_177 = arith.index_cast %add3A_176 : i32 to index
      %get3A_178 = tpu.vector_load %arg15[%get3A_177] {strides = array<i32>} : memref<10000xi32, #tpu.memory_space<vmem>>, vector<16xi32>,
      %add3A_179 = arith.constant 64 : i32
      %add3A_180 = arith.addi %mul3A_116, %add3A_179 : i32
      %get3A_181 = arith.index_cast %add3A_180 : i32 to index
      %get3A_182 = tpu.vector_load %arg16[%get3A_181] {strides = array<i32>} : memref<10000xf32, #tpu.memory_space<vmem>>, vector<16xf32>,
      %gather3A_183 = tpu.vector_load_idx %arg12[%get3A_174] : memref<10000xf32, #tpu.memory_space<vmem>>[vector<16xi32>], vector<16xf32>,
      %mul3A_184 = arith.mulf %get3A_182, %gather3A_183 : vector<16xf32>
      tpu.vector_store_idx %arg13[%get3A_178], %mul3A_184 {add = true} : memref<10000xf32, #tpu.memory_space<vmem>>[vector<16xi32>], vector<16xf32>,
    }
    %scan3A_96 = arith.constant 125 : i32
    %add3A_97 = arith.constant 70000 : i32
    %add3A_98 = arith.addi %mul3A_7, %add3A_97 : i32
    "tpu.region"() ({
      %run_scoped3A = tpu.sem_alloc : memref<!tpu.dma_semaphore, #tpu.memory_space<semaphore_mem>>
      %dma_start3A = tpu.memref_slice %arg2[%add3A_98] : memref<320000xi32, #tpu.memory_space<hbm>> -> memref<10000xi32, #tpu.memory_space<hbm>>
      %dma_start3A_114 = tpu.memref_slice %arg2[%add3A_98] : memref<320000xi32, #tpu.memory_space<hbm>> -> memref<10000xi32, #tpu.memory_space<hbm>>
      tpu.enqueue_dma source(%dma_start3A_114 : memref<10000xi32, #tpu.memory_space<hbm>>) target(%arg14 : memref<10000xi32, #tpu.memory_space<vmem>>) target_semaphore(%run_scoped3A : memref<!tpu.dma_semaphore, #tpu.memory_space<semaphore_mem>>)
      %dma_wait3A = tpu.memref_slice %arg2[%add3A_98] : memref<320000xi32, #tpu.memory_space<hbm>> -> memref<10000xi32, #tpu.memory_space<hbm>>
      %dma_wait3A_115 = tpu.memref_slice %arg2[%add3A_98] : memref<320000xi32, #tpu.memory_space<hbm>> -> memref<10000xi32, #tpu.memory_space<hbm>>
      tpu.wait_dma2 semaphore(%run_scoped3A : memref<!tpu.dma_semaphore, #tpu.memory_space<semaphore_mem>>) src(%dma_wait3A_115 : memref<10000xi32, #tpu.memory_space<hbm>>) dst(%arg14 : memref<10000xi32, #tpu.memory_space<vmem>>)
      tpu.yield
    }) : () -> ()
    "tpu.region"() ({
      %run_scoped3A = tpu.sem_alloc : memref<!tpu.dma_semaphore, #tpu.memory_space<semaphore_mem>>
      %dma_start3A = tpu.memref_slice %arg3[%add3A_98] : memref<320000xi32, #tpu.memory_space<hbm>> -> memref<10000xi32, #tpu.memory_space<hbm>>
      %dma_start3A_114 = tpu.memref_slice %arg3[%add3A_98] : memref<320000xi32, #tpu.memory_space<hbm>> -> memref<10000xi32, #tpu.memory_space<hbm>>
      tpu.enqueue_dma source(%dma_start3A_114 : memref<10000xi32, #tpu.memory_space<hbm>>) target(%arg15 : memref<10000xi32, #tpu.memory_space<vmem>>) target_semaphore(%run_scoped3A : memref<!tpu.dma_semaphore, #tpu.memory_space<semaphore_mem>>)
      %dma_wait3A = tpu.memref_slice %arg3[%add3A_98] : memref<320000xi32, #tpu.memory_space<hbm>> -> memref<10000xi32, #tpu.memory_space<hbm>>
      %dma_wait3A_115 = tpu.memref_slice %arg3[%add3A_98] : memref<320000xi32, #tpu.memory_space<hbm>> -> memref<10000xi32, #tpu.memory_space<hbm>>
      tpu.wait_dma2 semaphore(%run_scoped3A : memref<!tpu.dma_semaphore, #tpu.memory_space<semaphore_mem>>) src(%dma_wait3A_115 : memref<10000xi32, #tpu.memory_space<hbm>>) dst(%arg15 : memref<10000xi32, #tpu.memory_space<vmem>>)
      tpu.yield
    }) : () -> ()
    %add3A_99 = arith.constant 70000 : i32
    %add3A_100 = arith.addi %mul3A_11, %add3A_99 : i32
    "tpu.region"() ({
      %run_scoped3A = tpu.sem_alloc : memref<!tpu.dma_semaphore, #tpu.memory_space<semaphore_mem>>
      %dma_start3A = tpu.memref_slice %arg18[%add3A_100] : memref<160000xf32, #tpu.memory_space<vmem_shared>> -> memref<10000xf32, #tpu.memory_space<vmem_shared>>
      %dma_start3A_114 = tpu.memref_slice %arg18[%add3A_100] : memref<160000xf32, #tpu.memory_space<vmem_shared>> -> memref<10000xf32, #tpu.memory_space<vmem_shared>>
      tpu.enqueue_dma source(%dma_start3A_114 : memref<10000xf32, #tpu.memory_space<vmem_shared>>) target(%arg16 : memref<10000xf32, #tpu.memory_space<vmem>>) target_semaphore(%run_scoped3A : memref<!tpu.dma_semaphore, #tpu.memory_space<semaphore_mem>>)
      %dma_wait3A = tpu.memref_slice %arg18[%add3A_100] : memref<160000xf32, #tpu.memory_space<vmem_shared>> -> memref<10000xf32, #tpu.memory_space<vmem_shared>>
      %dma_wait3A_115 = tpu.memref_slice %arg18[%add3A_100] : memref<160000xf32, #tpu.memory_space<vmem_shared>> -> memref<10000xf32, #tpu.memory_space<vmem_shared>>
      tpu.wait_dma2 semaphore(%run_scoped3A : memref<!tpu.dma_semaphore, #tpu.memory_space<semaphore_mem>>) src(%dma_wait3A_115 : memref<10000xf32, #tpu.memory_space<vmem_shared>>) dst(%arg16 : memref<10000xf32, #tpu.memory_space<vmem>>)
      tpu.yield
    }) : () -> ()
    %scan3A_101 = arith.constant 0 : i32
    %scan3A_102 = arith.constant 0 : i32
    %scan3A_103 = arith.constant 125 : i32
    %scan3A_104 = arith.addi %scan3A_102, %scan3A_103 : i32
    %scan3A_105 = arith.constant 1 : i32
    scf.for %scan3A_114 = %scan3A_102 to %scan3A_104 step %scan3A_105  : i32 {
      %mul3A_115 = arith.constant 80 : i32
      %mul3A_116 = arith.muli %scan3A_114, %mul3A_115 : i32
      %add3A_117 = arith.constant 0 : i32
      %add3A_118 = arith.addi %mul3A_116, %add3A_117 : i32
      %get3A = arith.index_cast %add3A_118 : i32 to index
      %get3A_119 = tpu.vector_load %arg14[%get3A] {strides = array<i32>} : memref<10000xi32, #tpu.memory_space<vmem>>, vector<16xi32>,
      %add3A_120 = arith.constant 0 : i32
      %add3A_121 = arith.addi %mul3A_116, %add3A_120 : i32
      %get3A_122 = arith.index_cast %add3A_121 : i32 to index
      %get3A_123 = tpu.vector_load %arg15[%get3A_122] {strides = array<i32>} : memref<10000xi32, #tpu.memory_space<vmem>>, vector<16xi32>,
      %add3A_124 = arith.constant 0 : i32
      %add3A_125 = arith.addi %mul3A_116, %add3A_124 : i32
      %get3A_126 = arith.index_cast %add3A_125 : i32 to index
      %get3A_127 = tpu.vector_load %arg16[%get3A_126] {strides = array<i32>} : memref<10000xf32, #tpu.memory_space<vmem>>, vector<16xf32>,
      %gather3A = tpu.vector_load_idx %arg12[%get3A_119] : memref<10000xf32, #tpu.memory_space<vmem>>[vector<16xi32>], vector<16xf32>,
      %mul3A_128 = arith.mulf %get3A_127, %gather3A : vector<16xf32>
      tpu.vector_store_idx %arg13[%get3A_123], %mul3A_128 {add = true} : memref<10000xf32, #tpu.memory_space<vmem>>[vector<16xi32>], vector<16xf32>,
      %add3A_129 = arith.constant 16 : i32
      %add3A_130 = arith.addi %mul3A_116, %add3A_129 : i32
      %get3A_131 = arith.index_cast %add3A_130 : i32 to index
      %get3A_132 = tpu.vector_load %arg14[%get3A_131] {strides = array<i32>} : memref<10000xi32, #tpu.memory_space<vmem>>, vector<16xi32>,
      %add3A_133 = arith.constant 16 : i32
      %add3A_134 = arith.addi %mul3A_116, %add3A_133 : i32
      %get3A_135 = arith.index_cast %add3A_134 : i32 to index
      %get3A_136 = tpu.vector_load %arg15[%get3A_135] {strides = array<i32>} : memref<10000xi32, #tpu.memory_space<vmem>>, vector<16xi32>,
      %add3A_137 = arith.constant 16 : i32
      %add3A_138 = arith.addi %mul3A_116, %add3A_137 : i32
      %get3A_139 = arith.index_cast %add3A_138 : i32 to index
      %get3A_140 = tpu.vector_load %arg16[%get3A_139] {strides = array<i32>} : memref<10000xf32, #tpu.memory_space<vmem>>, vector<16xf32>,
      %gather3A_141 = tpu.vector_load_idx %arg12[%get3A_132] : memref<10000xf32, #tpu.memory_space<vmem>>[vector<16xi32>], vector<16xf32>,
      %mul3A_142 = arith.mulf %get3A_140, %gather3A_141 : vector<16xf32>
      tpu.vector_store_idx %arg13[%get3A_136], %mul3A_142 {add = true} : memref<10000xf32, #tpu.memory_space<vmem>>[vector<16xi32>], vector<16xf32>,
      %add3A_143 = arith.constant 32 : i32
      %add3A_144 = arith.addi %mul3A_116, %add3A_143 : i32
      %get3A_145 = arith.index_cast %add3A_144 : i32 to index
      %get3A_146 = tpu.vector_load %arg14[%get3A_145] {strides = array<i32>} : memref<10000xi32, #tpu.memory_space<vmem>>, vector<16xi32>,
      %add3A_147 = arith.constant 32 : i32
      %add3A_148 = arith.addi %mul3A_116, %add3A_147 : i32
      %get3A_149 = arith.index_cast %add3A_148 : i32 to index
      %get3A_150 = tpu.vector_load %arg15[%get3A_149] {strides = array<i32>} : memref<10000xi32, #tpu.memory_space<vmem>>, vector<16xi32>,
      %add3A_151 = arith.constant 32 : i32
      %add3A_152 = arith.addi %mul3A_116, %add3A_151 : i32
      %get3A_153 = arith.index_cast %add3A_152 : i32 to index
      %get3A_154 = tpu.vector_load %arg16[%get3A_153] {strides = array<i32>} : memref<10000xf32, #tpu.memory_space<vmem>>, vector<16xf32>,
      %gather3A_155 = tpu.vector_load_idx %arg12[%get3A_146] : memref<10000xf32, #tpu.memory_space<vmem>>[vector<16xi32>], vector<16xf32>,
      %mul3A_156 = arith.mulf %get3A_154, %gather3A_155 : vector<16xf32>
      tpu.vector_store_idx %arg13[%get3A_150], %mul3A_156 {add = true} : memref<10000xf32, #tpu.memory_space<vmem>>[vector<16xi32>], vector<16xf32>,
      %add3A_157 = arith.constant 48 : i32
      %add3A_158 = arith.addi %mul3A_116, %add3A_157 : i32
      %get3A_159 = arith.index_cast %add3A_158 : i32 to index
      %get3A_160 = tpu.vector_load %arg14[%get3A_159] {strides = array<i32>} : memref<10000xi32, #tpu.memory_space<vmem>>, vector<16xi32>,
      %add3A_161 = arith.constant 48 : i32
      %add3A_162 = arith.addi %mul3A_116, %add3A_161 : i32
      %get3A_163 = arith.index_cast %add3A_162 : i32 to index
      %get3A_164 = tpu.vector_load %arg15[%get3A_163] {strides = array<i32>} : memref<10000xi32, #tpu.memory_space<vmem>>, vector<16xi32>,
      %add3A_165 = arith.constant 48 : i32
      %add3A_166 = arith.addi %mul3A_116, %add3A_165 : i32
      %get3A_167 = arith.index_cast %add3A_166 : i32 to index
      %get3A_168 = tpu.vector_load %arg16[%get3A_167] {strides = array<i32>} : memref<10000xf32, #tpu.memory_space<vmem>>, vector<16xf32>,
      %gather3A_169 = tpu.vector_load_idx %arg12[%get3A_160] : memref<10000xf32, #tpu.memory_space<vmem>>[vector<16xi32>], vector<16xf32>,
      %mul3A_170 = arith.mulf %get3A_168, %gather3A_169 : vector<16xf32>
      tpu.vector_store_idx %arg13[%get3A_164], %mul3A_170 {add = true} : memref<10000xf32, #tpu.memory_space<vmem>>[vector<16xi32>], vector<16xf32>,
      %add3A_171 = arith.constant 64 : i32
      %add3A_172 = arith.addi %mul3A_116, %add3A_171 : i32
      %get3A_173 = arith.index_cast %add3A_172 : i32 to index
      %get3A_174 = tpu.vector_load %arg14[%get3A_173] {strides = array<i32>} : memref<10000xi32, #tpu.memory_space<vmem>>, vector<16xi32>,
      %add3A_175 = arith.constant 64 : i32
      %add3A_176 = arith.addi %mul3A_116, %add3A_175 : i32
      %get3A_177 = arith.index_cast %add3A_176 : i32 to index
      %get3A_178 = tpu.vector_load %arg15[%get3A_177] {strides = array<i32>} : memref<10000xi32, #tpu.memory_space<vmem>>, vector<16xi32>,
      %add3A_179 = arith.constant 64 : i32
      %add3A_180 = arith.addi %mul3A_116, %add3A_179 : i32
      %get3A_181 = arith.index_cast %add3A_180 : i32 to index
      %get3A_182 = tpu.vector_load %arg16[%get3A_181] {strides = array<i32>} : memref<10000xf32, #tpu.memory_space<vmem>>, vector<16xf32>,
      %gather3A_183 = tpu.vector_load_idx %arg12[%get3A_174] : memref<10000xf32, #tpu.memory_space<vmem>>[vector<16xi32>], vector<16xf32>,
      %mul3A_184 = arith.mulf %get3A_182, %gather3A_183 : vector<16xf32>
      tpu.vector_store_idx %arg13[%get3A_178], %mul3A_184 {add = true} : memref<10000xf32, #tpu.memory_space<vmem>>[vector<16xi32>], vector<16xf32>,
    }
    %scan3A_106 = arith.constant 125 : i32
    %mul3A_107 = arith.constant 80000 : i32
    %mul3A_108 = arith.muli %add3A, %mul3A_107 : i32
    %mul3A_109 = arith.constant 10000 : i32
    %mul3A_110 = arith.muli %shift_right_arithmetic3A_2, %mul3A_109 : i32
    %add3A_111 = arith.addi %mul3A_108, %mul3A_110 : i32
    "tpu.region"() ({
      %run_scoped3A = tpu.sem_alloc : memref<!tpu.dma_semaphore, #tpu.memory_space<semaphore_mem>>
      %dma_start3A = tpu.memref_slice %arg8[%add3A_111] : memref<320000xf32, #tpu.memory_space<hbm>> -> memref<10000xf32, #tpu.memory_space<hbm>>
      %dma_start3A_114 = tpu.memref_slice %arg8[%add3A_111] : memref<320000xf32, #tpu.memory_space<hbm>> -> memref<10000xf32, #tpu.memory_space<hbm>>
      tpu.enqueue_dma source(%arg13 : memref<10000xf32, #tpu.memory_space<vmem>>) target(%dma_start3A_114 : memref<10000xf32, #tpu.memory_space<hbm>>) target_semaphore(%run_scoped3A : memref<!tpu.dma_semaphore, #tpu.memory_space<semaphore_mem>>)
      %dma_wait3A = tpu.memref_slice %arg8[%add3A_111] : memref<320000xf32, #tpu.memory_space<hbm>> -> memref<10000xf32, #tpu.memory_space<hbm>>
      %dma_wait3A_115 = tpu.memref_slice %arg8[%add3A_111] : memref<320000xf32, #tpu.memory_space<hbm>> -> memref<10000xf32, #tpu.memory_space<hbm>>
      tpu.wait_dma2 semaphore(%run_scoped3A : memref<!tpu.dma_semaphore, #tpu.memory_space<semaphore_mem>>) src(%arg13 : memref<10000xf32, #tpu.memory_space<vmem>>) dst(%dma_wait3A_115 : memref<10000xf32, #tpu.memory_space<hbm>>)
      tpu.yield
    }) : () -> ()
    %mul3A_112 = arith.constant 16 : i32
    %mul3A_113 = arith.muli %add3A_5, %mul3A_112 : i32
    "tpu.region"() ({
      %run_scoped3A = tpu.sem_alloc : memref<!tpu.dma_semaphore, #tpu.memory_space<semaphore_mem>>
      %dma_start3A = tpu.memref_slice %arg9[%mul3A_113] : memref<512xf32, #tpu.memory_space<hbm>> -> memref<16xf32, #tpu.memory_space<hbm>>
      %dma_start3A_114 = tpu.memref_slice %arg9[%mul3A_113] : memref<512xf32, #tpu.memory_space<hbm>> -> memref<16xf32, #tpu.memory_space<hbm>>
      tpu.enqueue_dma source(%arg17 : memref<16xf32, #tpu.memory_space<vmem>>) target(%dma_start3A_114 : memref<16xf32, #tpu.memory_space<hbm>>) target_semaphore(%run_scoped3A : memref<!tpu.dma_semaphore, #tpu.memory_space<semaphore_mem>>)
      %dma_wait3A = tpu.memref_slice %arg9[%mul3A_113] : memref<512xf32, #tpu.memory_space<hbm>> -> memref<16xf32, #tpu.memory_space<hbm>>
      %dma_wait3A_115 = tpu.memref_slice %arg9[%mul3A_113] : memref<512xf32, #tpu.memory_space<hbm>> -> memref<16xf32, #tpu.memory_space<hbm>>
      tpu.wait_dma2 semaphore(%run_scoped3A : memref<!tpu.dma_semaphore, #tpu.memory_space<semaphore_mem>>) src(%arg17 : memref<16xf32, #tpu.memory_space<vmem>>) dst(%dma_wait3A_115 : memref<16xf32, #tpu.memory_space<hbm>>)
      tpu.yield
    }) : () -> ()
    return
  }
}

module attributes {stable_mosaic.version = 14 : i64} {
  func.func @_dense_body(%arg0: memref<10000x128xf32, #tpu.memory_space<vmem>>, %arg1: memref<10000x128xf32, #tpu.memory_space<vmem>>, %arg2: memref<8x128xf32, #tpu.memory_space<vmem>>, %arg3: memref<8x128xf32, #tpu.memory_space<vmem>>, %arg4: memref<8x1xf32, #tpu.memory_space<vmem>>, %arg5: memref<8x1xf32, #tpu.memory_space<vmem>>, %arg6: memref<8x1xf32, #tpu.memory_space<vmem>>, %arg7: memref<8x10000xf32, #tpu.memory_space<vmem>>, %arg8: memref<8x10000xf32, #tpu.memory_space<vmem>>, %arg9: memref<1x10000xf32, #tpu.memory_space<vmem>>, %arg10: memref<1x10000xf32, #tpu.memory_space<vmem>>, %arg11: memref<1x1xf32, #tpu.memory_space<vmem>>) attributes {dimension_semantics = [], scalar_prefetch = 0 : i64, scratch_operands = 0 : i64, tpu.core_type = #tpu.core_type<tc>} {
    %get3A = arith.constant 0 : index
    %get3A_0 = arith.constant 0 : index
    %get3A_1 = vector.load %arg2[%get3A, %get3A_0] : memref<8x128xf32, #tpu.memory_space<vmem>>, vector<8x128xf32>
    %convert_element_type3A = arith.truncf %get3A_1 : vector<8x128xf32> to vector<8x128xbf16>
    %get3A_2 = arith.constant 0 : index
    %get3A_3 = arith.constant 0 : index
    %get3A_4 = vector.load %arg0[%get3A_2, %get3A_3] : memref<10000x128xf32, #tpu.memory_space<vmem>>, vector<10000x128xf32>
    %convert_element_type3A_5 = arith.truncf %get3A_4 : vector<10000x128xf32> to vector<10000x128xbf16>
    %dot_general3A = arith.constant dense<0.000000e+00> : vector<8x10000xf32>
    %dot_general3A_6 = tpu.matmul %convert_element_type3A, %convert_element_type3A_5, %dot_general3A {dimension_numbers = #tpu.dot_dimension_numbers<[1], [1], [0], [0], [0, 0, 1, 0], [], []>, transpose_lhs_hint = false} : vector<8x128xbf16>, vector<10000x128xbf16>, vector<8x10000xf32> -> vector<8x10000xf32>
    %get3A_7 = arith.constant 0 : index
    %get3A_8 = arith.constant 0 : index
    %get3A_9 = vector.load %arg3[%get3A_7, %get3A_8] : memref<8x128xf32, #tpu.memory_space<vmem>>, vector<8x128xf32>
    %convert_element_type3A_10 = arith.truncf %get3A_9 : vector<8x128xf32> to vector<8x128xbf16>
    %get3A_11 = arith.constant 0 : index
    %get3A_12 = arith.constant 0 : index
    %get3A_13 = vector.load %arg1[%get3A_11, %get3A_12] : memref<10000x128xf32, #tpu.memory_space<vmem>>, vector<10000x128xf32>
    %convert_element_type3A_14 = arith.truncf %get3A_13 : vector<10000x128xf32> to vector<10000x128xbf16>
    %dot_general3A_15 = arith.constant dense<0.000000e+00> : vector<8x10000xf32>
    %dot_general3A_16 = tpu.matmul %convert_element_type3A_10, %convert_element_type3A_14, %dot_general3A_15 {dimension_numbers = #tpu.dot_dimension_numbers<[1], [1], [0], [0], [0, 0, 1, 0], [], []>, transpose_lhs_hint = false} : vector<8x128xbf16>, vector<10000x128xbf16>, vector<8x10000xf32> -> vector<8x10000xf32>
    %swap3A = arith.constant 0 : index
    %swap3A_17 = arith.constant 0 : index
    %swap3A_18 = vector.load %arg8[%swap3A, %swap3A_17] : memref<8x10000xf32, #tpu.memory_space<vmem>>, vector<8x10000xf32>
    tpu.vector_store %arg8[%swap3A, %swap3A_17], %dot_general3A_16 {strides = array<i32>} : memref<8x10000xf32, #tpu.memory_space<vmem>>, vector<8x10000xf32>,
    %convert_element_type3A_19 = arith.truncf %dot_general3A_6 : vector<8x10000xf32> to vector<8x10000xbf16>
    %convert_element_type3A_20 = arith.extf %convert_element_type3A_19 : vector<8x10000xbf16> to vector<8x10000xf32>
    %convert_element_type3A_21 = arith.truncf %dot_general3A_16 : vector<8x10000xf32> to vector<8x10000xbf16>
    %convert_element_type3A_22 = arith.extf %convert_element_type3A_21 : vector<8x10000xbf16> to vector<8x10000xf32>
    %get3A_23 = arith.constant 0 : index
    %get3A_24 = arith.constant 0 : index
    %get3A_25 = vector.load %arg5[%get3A_23, %get3A_24] : memref<8x1xf32, #tpu.memory_space<vmem>>, vector<8x1xf32>
    %mul3A = vector.broadcast %get3A_25 : vector<8x1xf32> to vector<8x10000xf32>
    %mul3A_26 = arith.mulf %convert_element_type3A_20, %mul3A : vector<8x10000xf32>
    %reduce_sum3A = arith.constant dense<0.000000e+00> : vector<10000xf32>
    %reduce_sum3A_27 = vector.multi_reduction <add>, %mul3A_26, %reduce_sum3A [0] : vector<8x10000xf32> to vector<10000xf32>
    %broadcast_in_dim3A = vector.shape_cast %reduce_sum3A_27 : vector<10000xf32> to vector<1x10000xf32>
    %swap3A_28 = arith.constant 0 : index
    %swap3A_29 = arith.constant 0 : index
    %swap3A_30 = vector.load %arg9[%swap3A_28, %swap3A_29] : memref<1x10000xf32, #tpu.memory_space<vmem>>, vector<1x10000xf32>
    tpu.vector_store %arg9[%swap3A_28, %swap3A_29], %broadcast_in_dim3A {strides = array<i32>} : memref<1x10000xf32, #tpu.memory_space<vmem>>, vector<1x10000xf32>,
    %get3A_31 = arith.constant 0 : index
    %get3A_32 = arith.constant 0 : index
    %get3A_33 = vector.load %arg6[%get3A_31, %get3A_32] : memref<8x1xf32, #tpu.memory_space<vmem>>, vector<8x1xf32>
    %mul3A_34 = vector.broadcast %get3A_33 : vector<8x1xf32> to vector<8x10000xf32>
    %mul3A_35 = arith.mulf %convert_element_type3A_22, %mul3A_34 : vector<8x10000xf32>
    %reduce_sum3A_36 = arith.constant dense<0.000000e+00> : vector<10000xf32>
    %reduce_sum3A_37 = vector.multi_reduction <add>, %mul3A_35, %reduce_sum3A_36 [0] : vector<8x10000xf32> to vector<10000xf32>
    %broadcast_in_dim3A_38 = vector.shape_cast %reduce_sum3A_37 : vector<10000xf32> to vector<1x10000xf32>
    %swap3A_39 = arith.constant 0 : index
    %swap3A_40 = arith.constant 0 : index
    %swap3A_41 = vector.load %arg10[%swap3A_39, %swap3A_40] : memref<1x10000xf32, #tpu.memory_space<vmem>>, vector<1x10000xf32>
    tpu.vector_store %arg10[%swap3A_39, %swap3A_40], %broadcast_in_dim3A_38 {strides = array<i32>} : memref<1x10000xf32, #tpu.memory_space<vmem>>, vector<1x10000xf32>,
    %get3A_42 = arith.constant 0 : index
    %get3A_43 = arith.constant 0 : index
    %get3A_44 = vector.load %arg4[%get3A_42, %get3A_43] : memref<8x1xf32, #tpu.memory_space<vmem>>, vector<8x1xf32>
    %mul3A_45 = vector.broadcast %get3A_44 : vector<8x1xf32> to vector<8x10000xf32>
    %mul3A_46 = arith.mulf %convert_element_type3A_20, %mul3A_45 : vector<8x10000xf32>
    %reduce_sum3A_47 = arith.constant dense<0.000000e+00> : vector<10000xf32>
    %reduce_sum3A_48 = vector.multi_reduction <add>, %mul3A_46, %reduce_sum3A_47 [0] : vector<8x10000xf32> to vector<10000xf32>
    %broadcast_in_dim3A_49 = vector.shape_cast %reduce_sum3A_48 : vector<10000xf32> to vector<1x10000xf32>
    %gt3A = arith.constant 0.000000e+00 : f32
    %gt3A_50 = vector.broadcast %gt3A : f32 to vector<1x10000xf32>
    %gt3A_51 = arith.cmpf ogt, %broadcast_in_dim3A_49, %gt3A_50 : vector<1x10000xf32>
    %mul3A_52 = arith.constant 2.000000e-01 : f32
    %mul3A_53 = vector.broadcast %mul3A_52 : f32 to vector<1x10000xf32>
    %mul3A_54 = arith.mulf %broadcast_in_dim3A_49, %mul3A_53 : vector<1x10000xf32>
    %select_n3A = arith.select %gt3A_51, %broadcast_in_dim3A_49, %mul3A_54 : vector<1x10000xi1>, vector<1x10000xf32>
    %exp3A = math.exp %select_n3A : vector<1x10000xf32>
    %mul3A_55 = vector.broadcast %exp3A : vector<1x10000xf32> to vector<8x10000xf32>
    %mul3A_56 = arith.mulf %dot_general3A_6, %mul3A_55 : vector<8x10000xf32>
    %swap3A_57 = arith.constant 0 : index
    %swap3A_58 = arith.constant 0 : index
    %swap3A_59 = vector.load %arg7[%swap3A_57, %swap3A_58] : memref<8x10000xf32, #tpu.memory_space<vmem>>, vector<8x10000xf32>
    tpu.vector_store %arg7[%swap3A_57, %swap3A_58], %mul3A_56 {strides = array<i32>} : memref<8x10000xf32, #tpu.memory_space<vmem>>, vector<8x10000xf32>,
    %reduce_sum3A_60 = vector.shape_cast %exp3A : vector<1x10000xf32> to vector<1x1x10000xf32>
    %reduce_sum3A_61 = arith.constant dense<0.000000e+00> : vector<1xf32>
    %reduce_sum3A_62 = vector.multi_reduction <add>, %reduce_sum3A_60, %reduce_sum3A_61 [1, 2] : vector<1x1x10000xf32> to vector<1xf32>
    %reduce_sum3A_63 = vector.shape_cast %reduce_sum3A_62 : vector<1xf32> to vector<1x1x1xf32>
    %reduce_sum3A_64 = vector.extract %reduce_sum3A_63[0, 0, 0] : f32 from vector<1x1x1xf32>
    %reshape3A = vector.broadcast %reduce_sum3A_64 : f32 to vector<1x1xf32>
    %swap3A_65 = arith.constant 0 : index
    %swap3A_66 = arith.constant 0 : index
    %swap3A_67 = vector.load %arg11[%swap3A_65, %swap3A_66] : memref<1x1xf32, #tpu.memory_space<vmem>>, vector<1x1xf32>
    tpu.vector_store %arg11[%swap3A_65, %swap3A_66], %reshape3A {strides = array<i32>} : memref<1x1xf32, #tpu.memory_space<vmem>>, vector<1x1xf32>,
    return
  }
}

module attributes {stable_mosaic.version = 14 : i64} {
  func.func @_final_body(%arg0: memref<625x128xf32, #tpu.memory_space<vmem>>, %arg1: memref<4x625x128xf32, #tpu.memory_space<vmem>>, %arg2: memref<4x128xf32, #tpu.memory_space<vmem>>, %arg3: memref<1x1xf32, #tpu.memory_space<vmem>>, %arg4: memref<625x128xf32, #tpu.memory_space<vmem>>) attributes {dimension_semantics = [], scalar_prefetch = 0 : i64, scratch_operands = 0 : i64, tpu.core_type = #tpu.core_type<tc>} {
    %get3A = arith.constant 0 : index
    %get3A_0 = arith.constant 0 : index
    %get3A_1 = vector.load %arg3[%get3A, %get3A_0] : memref<1x1xf32, #tpu.memory_space<vmem>>, vector<1x1xf32>
    %get3A_2 = arith.constant 0 : index
    %get3A_3 = arith.constant 0 : index
    %get3A_4 = vector.load %arg2[%get3A_2, %get3A_3] : memref<4x128xf32, #tpu.memory_space<vmem>>, vector<4x128xf32>
    %reduce_sum3A = vector.shape_cast %get3A_4 : vector<4x128xf32> to vector<1x4x128xf32>
    %reduce_sum3A_5 = arith.constant dense<0.000000e+00> : vector<1xf32>
    %reduce_sum3A_6 = vector.multi_reduction <add>, %reduce_sum3A, %reduce_sum3A_5 [1, 2] : vector<1x4x128xf32> to vector<1xf32>
    %reduce_sum3A_7 = vector.shape_cast %reduce_sum3A_6 : vector<1xf32> to vector<1x1x1xf32>
    %reduce_sum3A_8 = vector.extract %reduce_sum3A_7[0, 0, 0] : f32 from vector<1x1x1xf32>
    %reshape3A = vector.broadcast %reduce_sum3A_8 : f32 to vector<1x1xf32>
    %add3A = arith.addf %get3A_1, %reshape3A : vector<1x1xf32>
    %get3A_9 = arith.constant 0 : index
    %get3A_10 = arith.constant 0 : index
    %get3A_11 = arith.constant 0 : index
    %get3A_12 = vector.load %arg1[%get3A_9, %get3A_10, %get3A_11] : memref<4x625x128xf32, #tpu.memory_space<vmem>>, vector<1x625x128xf32>
    %get3A_13 = vector.shape_cast %get3A_12 : vector<1x625x128xf32> to vector<625x128xf32>
    %get3A_14 = arith.constant 1 : index
    %get3A_15 = arith.constant 0 : index
    %get3A_16 = arith.constant 0 : index
    %get3A_17 = vector.load %arg1[%get3A_14, %get3A_15, %get3A_16] : memref<4x625x128xf32, #tpu.memory_space<vmem>>, vector<1x625x128xf32>
    %get3A_18 = vector.shape_cast %get3A_17 : vector<1x625x128xf32> to vector<625x128xf32>
    %add3A_19 = arith.addf %get3A_13, %get3A_18 : vector<625x128xf32>
    %get3A_20 = arith.constant 2 : index
    %get3A_21 = arith.constant 0 : index
    %get3A_22 = arith.constant 0 : index
    %get3A_23 = vector.load %arg1[%get3A_20, %get3A_21, %get3A_22] : memref<4x625x128xf32, #tpu.memory_space<vmem>>, vector<1x625x128xf32>
    %get3A_24 = vector.shape_cast %get3A_23 : vector<1x625x128xf32> to vector<625x128xf32>
    %add3A_25 = arith.addf %add3A_19, %get3A_24 : vector<625x128xf32>
    %get3A_26 = arith.constant 3 : index
    %get3A_27 = arith.constant 0 : index
    %get3A_28 = arith.constant 0 : index
    %get3A_29 = vector.load %arg1[%get3A_26, %get3A_27, %get3A_28] : memref<4x625x128xf32, #tpu.memory_space<vmem>>, vector<1x625x128xf32>
    %get3A_30 = vector.shape_cast %get3A_29 : vector<1x625x128xf32> to vector<625x128xf32>
    %add3A_31 = arith.addf %add3A_25, %get3A_30 : vector<625x128xf32>
    %get3A_32 = arith.constant 0 : index
    %get3A_33 = arith.constant 0 : index
    %get3A_34 = vector.load %arg0[%get3A_32, %get3A_33] : memref<625x128xf32, #tpu.memory_space<vmem>>, vector<625x128xf32>
    %add3A_35 = arith.addf %get3A_34, %add3A_31 : vector<625x128xf32>
    %div3A = vector.broadcast %add3A : vector<1x1xf32> to vector<625x128xf32>
    %div3A_36 = arith.divf %add3A_35, %div3A : vector<625x128xf32>
    %gt3A = arith.constant 0.000000e+00 : f32
    %gt3A_37 = vector.broadcast %gt3A : f32 to vector<625x128xf32>
    %gt3A_38 = arith.cmpf ogt, %div3A_36, %gt3A_37 : vector<625x128xf32>
    %exp3A = math.exp %div3A_36 : vector<625x128xf32>
    %sub3A = arith.constant 1.000000e+00 : f32
    %sub3A_39 = vector.broadcast %sub3A : f32 to vector<625x128xf32>
    %sub3A_40 = arith.subf %exp3A, %sub3A_39 : vector<625x128xf32>
    %select_n3A = arith.select %gt3A_38, %div3A_36, %sub3A_40 : vector<625x128xi1>, vector<625x128xf32>
    %swap3A = arith.constant 0 : index
    %swap3A_41 = arith.constant 0 : index
    %swap3A_42 = vector.load %arg4[%swap3A, %swap3A_41] : memref<625x128xf32, #tpu.memory_space<vmem>>, vector<625x128xf32>
    tpu.vector_store %arg4[%swap3A, %swap3A_41], %select_n3A {strides = array<i32>} : memref<625x128xf32, #tpu.memory_space<vmem>>, vector<625x128xf32>,
    return
  }
}

</mosaic_0001>

<sc_bundles>
// kernel: kernel.5.cloned.1.call-start
scs
__scs_entry_jumppad:
0x0: {  	(pc) =	sbr.rel $0x88, $3  }
0x1: {  	(tag) =	ssettag $0x0;
	lr =	simm.s32 $0x1  }
0x2: {  	[smem:$0x3F9A] =	sst lr;
	_ =	strace $0xD0000000  }
0x3: {  	_ = 	snop  }
0x4: {  	_ = 	snop  }
0x5: {  	_ = 	snop  }
0x6: {  	_ = 	snop  }
0x7: {  	_ = 	snop  }
__scs_overlays_trampoline_lowered:
0x8: {  	[smem:$0x3FA9] =	sst s0  }
0x9: {  	[smem:$0x3FAA] =	sst s1  }
0xa: {  	[smem:$0x3FAB] =	sst s2  }
0xb: {  	[smem:$0x3FAC] =	sst s3  }
0xc: {  	[smem:$0x3FAD] =	sst s4  }
0xd: {  	[smem:$0x3FAE] =	sst s5  }
0xe: {  	[smem:$0x3FAF] =	sst s6  }
0xf: {  	[smem:$0x3FB0] =	sst s7  }
0x10: {  	[smem:$0x3FB1] =	sst s8  }
0x11: {  	[smem:$0x3FB2] =	sst s9;
	s0 =	simm.s32 @!p0 $0x0  }
0x12: {  	s1 =	sld [smem:$0x3F98];
	s0 =	simm.s32 @p0 $0x1  }
0x13: {  	[smem:$0x3FB3] =	sst s0;
	s0 =	simm.s32 @!p1 $0x0  }
0x14: {  	s2 =	sld [smem:$0x3F97];
	s0 =	simm.s32 @p1 $0x1  }
0x15: {  	[smem:$0x3FB4] =	sst s0;
	s0 =	simm.s32 @!p2 $0x0  }
0x16: {  	s3 =	sld [smem:$0x3FDB];
	s0 =	simm.s32 @p2 $0x1  }
0x17: {  	s4 =	simm.s32 $0x1BF5;
	[smem:$0x3FB6] =	sst s0  }
0x18: {  	s0 =	sld [smem:$0x3F99];
	_ =	swait.ge [sflag:s4], $0x0  }
0x19: {  	s7 =	sld [smem:$0x3F9A]  }
0x1a: {  	s8 =	sadd.s32 $0xFFFFE003, lr  }
0x1b: {  	s9 =	sadd.s32 $0xFFFFFEF7, lr;
	s5 =	simm.s32 $0xFFFFFFFF;
	p2 =	slt.u32 s8, $0xFFFFF086  }
0x1c: {  	p1 =	slt.u32 s9, $0xF7A;
	s5 =	simm.s32 @!p2 $0x0  }
0x1d: {  	s5 =	simm.s32 @p1 $0x1;
	p0 =	seq.s32 s7, s2  }
0x1e: {  	s7 =	smul.u32 @!p0 $0xF7A, s2;
	p2 =	seq.s32 @!p0 s5, $0x0  }
0x1f: {  	s9 =	smul.u32 $0xF7A, s1;
	s8 =	simm.s32 @!p0 $0x1BF5;
	p2 =	por !p2, p0  }
0x20: {  	[sflag:s8] =	ssyncset.s32 @!p0 $0xFFFFF086;
	s6 =	sadd.s32 @!p0 s3, s7;
	s7 =	simm.s32 @!p0 $0x108  }
0x21: {  	s3 =	sadd.s32 s3, s9;
	s6 =	sadd.s32 @!p0 $0x88, s6;
	s7 =	simm.s32 @p2 $0x1082  }
0x22: {  	[simem:s7], [sflag:s8] =	dma.local @!p0 [hbm:s6], $0xF7A  }
0x23: {  	s9 =	sor.u32 $0xD0000000, s2;
	s6 =	simm.s32 $0x108;
	_ =	swait.ge @!p0 [sflag:s8], $0x0  }
0x24: {  	s3 =	sadd.s32 $0x88, s3;
	s6 =	simm.s32 @!p1 $0x1082;
	[sflag:s4] =	ssyncset.s32 $0xFFFFF086  }
0x25: {  	[simem:s6], [sflag:s4] =	dma.local [hbm:s3], $0xF7A  }
0x26: {  	[smem:$0x3F9A] =	sst s1;
	(tag) =	ssettag s2;
	_ =	strace s9  }
0x27: {  	s1 =	sld [smem:$0x3FAA]  }
0x28: {  	s2 =	sld [smem:$0x3FAB]  }
0x29: {  	s4 =	sld [smem:$0x3FAD]  }
0x2a: {  	p0 =	seq.s32 s5, $0x0;
	s5 =	sld [smem:$0x3FAE]  }
0x2b: {  	s6 =	sld [smem:$0x3FAF]  }
0x2c: {  	s7 =	sld [smem:$0x3FB0]  }
0x2d: {  	s3 =	simm.s32 $0x108;
	s8 =	sld [smem:$0x3FB1]  }
0x2e: {  	s3 =	simm.s32 @!p0 $0x1082;
	s9 =	sld [smem:$0x3FB2]  }
0x2f: {  	lr =	sadd.s32 s0, s3;
	s0 =	sld [smem:$0x3FA9]  }
0x30: {  	s3 =	sld [smem:$0x3FAC]  }
0x31: {  	[smem:$0x3FB5] =	sst s10  }
0x32: {  	s10 =	sld [smem:$0x3FB3];
	_ =	sdelay $0x3  }
0x33: {  	p0 =	seq.s32 s10, $0x1;
	s10 =	sld [smem:$0x3FB5];
	_ =	sdelay $0x3  }
0x34: {  	[smem:$0x3FB5] =	sst s10  }
0x35: {  	s10 =	sld [smem:$0x3FB4];
	_ =	sdelay $0x3  }
0x36: {  	p1 =	seq.s32 s10, $0x1;
	s10 =	sld [smem:$0x3FB5];
	_ =	sdelay $0x3  }
0x37: {  	[smem:$0x3FB5] =	sst s10  }
0x38: {  	s10 =	sld [smem:$0x3FB6]  }
0x39: {  	_ = 	snop;
	(pc) =	sbr.ind lr, $3  }
0x3a: {  	_ = 	snop  }
0x3b: {  	_ = 	snop  }
0x3c: {  	p2 =	seq.s32 s10, $0x1;
	s10 =	sld [smem:$0x3FB5]  }
0x3d: {  	_ =	shalt  }
0x3e: {  	_ =	shalt  }
0x3f: {  	_ =	shalt  }
0x40: {  	_ =	shalt  }
0x41: {  	_ =	shalt  }
0x42: {  	_ =	shalt  }
0x43: {  	_ =	shalt  }
0x44: {  	_ =	shalt  }
0x45: {  	_ =	shalt  }
0x46: {  	_ =	shalt  }
0x47: {  	_ =	shalt  }
0x48: {  	_ =	shalt  }
0x49: {  	_ =	shalt  }
0x4a: {  	_ =	shalt  }
0x4b: {  	_ =	shalt  }
0x4c: {  	_ =	shalt  }
0x4d: {  	_ =	shalt  }
0x4e: {  	_ =	shalt  }
0x4f: {  	_ =	shalt  }
0x50: {  	_ =	shalt  }
0x51: {  	_ =	shalt  }
0x52: {  	_ =	shalt  }
0x53: {  	_ =	shalt  }
0x54: {  	_ =	shalt  }
0x55: {  	_ =	shalt  }
0x56: {  	_ =	shalt  }
0x57: {  	_ =	shalt  }
0x58: {  	_ =	shalt  }
0x59: {  	_ =	shalt  }
0x5a: {  	_ =	shalt  }
0x5b: {  	_ =	shalt  }
0x5c: {  	_ =	shalt  }
0x5d: {  	_ =	shalt  }
0x5e: {  	_ =	shalt  }
0x5f: {  	_ =	shalt  }
0x60: {  	_ =	shalt  }
0x61: {  	_ =	shalt  }
0x62: {  	_ =	shalt  }
0x63: {  	_ =	shalt  }
0x64: {  	_ =	shalt  }
0x65: {  	_ =	shalt  }
0x66: {  	_ =	shalt  }
0x67: {  	_ =	shalt  }
0x68: {  	_ =	shalt  }
0x69: {  	_ =	shalt  }
0x6a: {  	_ =	shalt  }
0x6b: {  	_ =	shalt  }
0x6c: {  	_ =	shalt  }
0x6d: {  	_ =	shalt  }
0x6e: {  	_ =	shalt  }
0x6f: {  	_ =	shalt  }
0x70: {  	_ =	shalt  }
0x71: {  	_ =	shalt  }
0x72: {  	_ =	shalt  }
0x73: {  	_ =	shalt  }
0x74: {  	_ =	shalt  }
0x75: {  	_ =	shalt  }
0x76: {  	_ =	shalt  }
0x77: {  	_ =	shalt  }
0x78: {  	_ =	shalt  }
0x79: {  	_ =	shalt  }
0x7a: {  	_ =	shalt  }
0x7b: {  	_ =	shalt  }
0x7c: {  	_ =	shalt  }
0x7d: {  	_ =	shalt  }
0x7e: {  	_ =	shalt  }
0x7f: {  	_ =	shalt  }
0x80: {  	_ =	shalt  }
0x81: {  	_ =	shalt  }
0x82: {  	_ =	shalt  }
0x83: {  	_ =	shalt  }
0x84: {  	_ =	shalt  }
0x85: {  	_ =	shalt  }
0x86: {  	_ =	shalt  }
0x87: {  	_ =	shalt  }
.Lfunc_end0:
.L_simem_size_0:
called_computation_lowered:
.L_overlay_start_0:
0x88: {  	s2 =	sld [smem:$0x3FD9]  }
0x89: {  	s3 =	sld [smem:$0x3FFE];
	_ =	sdelay $0x1  }
0x8a: {  	s1 =	srdreg.scid  }
0x8b: {  	s0 =	sand.u32 $0x1, s1  }
0x8c: {  	s17 =	sshll.u32 s0, $0xA;
	s2 =	sadd.s32 s3, s2  }
0x8d: {  	s2 =	sadd.s32 s2, s17  }
0x8e: {  	[smem:$0x3FC1] =	sst s2  }
0x8f: {  	_ = 	snop  }
0x90: {  	s2 =	sld [smem:$0x3FD0];
	(tm) =	ssettm $0x1  }
0x91: {  	s18 =	sld [smem:$0x3FFB];
	_ =	sdelay $0x3  }
0x92: {  	_ =	strace s18  }
0x93: {  	s3 =	sld [smem:$0x3FFC];
	_ =	sdelay $0x3  }
0x94: {  	_ =	strace s3  }
0x95: {  	s3 =	sld [smem:$0x3FFD];
	_ =	sdelay $0x3  }
0x96: {  	_ =	strace s3  }
0x97: {  	_ =	strace $0x8FFFFFFF  }
0x98: {  	s19 =	sld [smem:$0x3FDB];
	_ =	sdelay $0x1  }
0x99: {  	s4 =	simm.s32 $_scs_section_size  }
0x9a: {  	s5 =	simm.s32 $_size__tile_overlayer_lowered;
	s6 =	simm.s32 $_tile_overlayer_lowered  }
0x9b: {  	s22 =	simm.s32 $0x1BFF;
	s21 =	sshll.u32 s6, $0x1;
	s3 =	sadd.s32 s4, s19  }
0x9c: {  	s7 =	simm.s32 $0x0;
	s20 =	sshll.u32 s5, $0x1;
	s5 =	sadd.s32 s21, s3  }
0x9d: {  	[timem:s7], [sflag:s22] =	dma.local [hbm:s5], s20  }
0x9e: {  	_ =	swait.ge [sflag:s22], s20  }
0x9f: {  	s4 =	ssub.s32 $0x0, s20;
	[sflag:s22] =	ssyncset.done $0x0  }
0xa0: {  	[sflag:s22] =	ssyncadd.s32 s4;
	_ =	sdelay $0x1  }
0xa1: {  	s23 =	simm.s32 $0x1B8B  }
0xa2: {  	_ =	swait.ge [sflag:s23], $0x1  }
0xa3: {  	[sflag:s23] =	ssyncset.done $0x0  }
0xa4: {  	s25 =	simm.s32 $0x1B8E;
	s24 =	sld [smem:$0x3FFE];
	[sflag:s23] =	ssyncadd.s32 $0xFFFFFFFF  }
0xa5: {  	s26 =	simm.s32 $execute0_lowered;
	[smem:$0x3FD2] =	sst s25  }
0xa6: {  	s5 =	sshll.u32 s26, $0x1;
	_ =	strace $0x80000046;
	[dreg:$0x1] =	wrdreg $0xFFFFFFFF  }
0xa7: {  	s28 =	simm.s32 $_size_execute0_lowered;
	s3 =	sadd.s32 s3, s5;
	[dreg:$0x0] =	wrdreg $0x0  }
0xa8: {  	s5 =	sshll.u32 s28, $0x1;
	[dreg:$0x2] =	wrdreg s3  }
0xa9: {  	[dreg:$0x3] =	wrdreg s5  }
0xaa: {  	[dreg:$0x4] =	wrdreg $0xC0  }
0xab: {  	_ =	task [dreg:s7], $0x5FFFF  }
0xac: {  	[dreg:$0x1] =	wrdreg $0xFFFFFFFF  }
0xad: {  	[dreg:$0x0] =	wrdreg $0x60  }
0xae: {  	[dreg:$0x2] =	wrdreg s24  }
0xaf: {  	[dreg:$0x3] =	wrdreg s2  }
0xb0: {  	[dreg:$0x4] =	wrdreg $0x115000  }
0xb1: {  	[dreg:$0x5] =	wrdreg $0x9  }
0xb2: {  	_ =	task.clear_ibuf [dreg:s7], $0x6FFFF;
	_ =	strace $0x90000046  }
0xb3: {  	s29 =	simm.s32 $0x9;
	_ =	strace $0x80000048  }
0xb4: {  	_ =	swait.ge [sflag:s29], $0x1  }
0xb5: {  	[sflag:s29] =	ssyncadd.s32 $0xFFFFFFFF  }
0xb6: {  	_ =	strace $0x90000048  }
0xb7: {  	_ =	sfence  }
0xb8: {  	s30 =	sld [smem:$0x0];
	_ =	sdelay $0x2  }
0xb9: {  	s31 =	sshll.u32 s1, $0xD;
	s1 =	sshrl.u32 s1, $0x2  }
0xba: {  	s3 =	sand.u32 $0x4000, s31;
	s1 =	sadd.s32 s1, s30  }
0xbb: {  	s0 =	sor.u32 s3, s0;
	s1 =	sshll.u32 s1, $0x11  }
0xbc: {  	s0 =	sor.u32 s1, s0  }
0xbd: {  	s0 =	sadd.s32 $0x8F2B, s0  }
0xbe: {  	[sflag:s0] =	ssyncadd.remote.s32 $0x1  }
0xbf: {  	_ =	sfence.sel $0xFFFF  }
0xc0: {  	[dreg:$0x0] =	wrdreg $0xFFFFFFFF;
	(pc) =	sbr.abs _section_cstart, $3  }
0xc1: {  	[dreg:$0x1] =	wrdreg $0xFFFFFFFF  }
0xc2: {  	_ =	task.clear_ibuf [dreg:s7], $0x2FFFF;
	_ =	strace $0x9FFFFFFF  }
0xc3: {  	(tm) =	ssettm $0x7FFFFFFF  }
tec
execute0_lowered:
.L_overlay_start_1:
0x0: {  	(tag) =	ssettag $0x1  }
0x1: {  	s0 =	rddreg [dreg:$0x0]  }
0x2: {  	s1 =	srdreg.scid;
	s3 =	rddreg [dreg:$0x1]  }
0x3: {  	s12 =	stileid.u32;
	s4 =	rddreg [dreg:$0x2];
	s1 =	sand.u32 $0x1, s1  }
0x4: {  	s5 =	sand.u32 $0x1, s12;
	s7 =	sshrl.u32 s12, $0x1;
	s9 =	sadd.s32 $0xB200, s0  }
0x5: {  	s10 =	sadd.s32 $0x1400, s0;
	s12 =	sand.u32 $0xE, s12;
	s2 =	sshll.u32 s1, $0x1  }
0x6: {  	s7 =	smul.u32 $0x2710, s7;
	s1 =	ssub.s32 $0x2, s1;
	s12 =	sadd.s32 s12, s0  }
0x7: {  	s6 =	sor.u32 s5, s2;
	s2 =	simm.s32 $0x0;
	s5 =	smul.u32 $0x4E200, s5  }
0x8: {  	s13 =	sshrl.u32 s1, $0x1;
	s8 =	smul.u32 $0x13880, s6;
	[smem:$0x7FF] =	sst s2  }
0x9: {  	s1 =	ssub.s32 s1, s13;
	s26 =	sshrl.u32 s7, $0x3;
	_ =	strace $0x80000047  }
0xa: {  	s3 =	sadd.s32 s3, s26;
	s13 =	sshrl.u32 s5, $0x2;
	s30 =	smax.u32 s1, $0x1  }
0xb: {  	s11 =	sadd.s32 s7, s8;
	s8 =	sshrl.u32 s8, $0x3;
	[dreg:$0x4] =	wrdreg s3  }
0xc: {  	s4 =	sadd.s32 s13, s4;
	s11 =	sshrl.u32 s11, $0x3;
	s14 =	sadd.s32 $0x4E2, s8  }
0xd: {  	s15 =	sadd.s32 s9, s8;
	s18 =	sadd.s32 $0x9C4, s8;
	s19 =	sadd.s32 $0xEA6, s8  }
0xe: {  	s23 =	sadd.s32 $0x1388, s8;
	[dreg:$0x5] =	wrdreg s15;
	s16 =	sadd.s32 s9, s14  }
0xf: {  	s24 =	sadd.s32 $0x186A, s8;
	s17 =	sadd.s32 s10, s14;
	[dreg:$0x6] =	wrdreg s16  }
0x10: {  	s13 =	sadd.s32 $0x1D4C, s8;
	s20 =	sadd.s32 s9, s18;
	[dreg:$0x7] =	wrdreg s17  }
0x11: {  	s31 =	sadd.s32 $0x2710, s4;
	s3 =	sadd.s32 s10, s18;
	[dreg:$0x8] =	wrdreg s20  }
0x12: {  	s1 =	sadd.s32 $0x4E20, s4;
	s21 =	sadd.s32 s9, s19;
	[dreg:$0x9] =	wrdreg s3  }
0x13: {  	s22 =	sadd.s32 s10, s19;
	s25 =	sadd.s32 s9, s23;
	[dreg:$0xa] =	wrdreg s21  }
0x14: {  	s26 =	sadd.s32 s9, s24;
	s5 =	sadd.s32 s10, s24;
	[dreg:$0xb] =	wrdreg s22  }
0x15: {  	s14 =	sshll.u32 s6, $0x4;
	s15 =	sadd.s32 s9, s13;
	[dreg:$0xc] =	wrdreg s25  }
0x16: {  	s18 =	sadd.s32 s9, s11;
	s19 =	sadd.s32 s11, s0;
	[dreg:$0xe] =	wrdreg s26  }
0x17: {  	s24 =	sadd.s32 $0xE00, s0;
	s6 =	sadd.s32 $0xEA60, s4;
	[dreg:$0xf] =	wrdreg s5  }
0x18: {  	s3 =	sadd.s32 s10, s23;
	s5 =	sadd.s32 s14, s12;
	[dreg:$0x10] =	wrdreg s15  }
0x19: {  	s16 =	sadd.s32 s10, s8;
	s17 =	sadd.s32 $0x222E, s8;
	[dreg:$0x13] =	wrdreg s18  }
0x1a: {  	s22 =	sadd.s32 s10, s11;
	s23 =	sadd.s32 $0x800, s0;
	s25 =	sadd.s32 $0x15000, s0  }
0x1b: {  	s26 =	sadd.s32 s7, s4;
	s28 =	sadd.s32 $0x15600, s19;
	s0 =	sadd.s32 $0x7530, s4  }
0x1c: {  	s7 =	sadd.s32 $0x11170, s4;
	s8 =	simm.s32 $0x1;
	s11 =	simm.s32 $0x7680  }
0x1d: {  	s12 =	simm.s32 $0x9E00;
	s14 =	simm.s32 $0xED00;
	[dreg:$0xd] =	wrdreg s3  }
0x1e: {  	s15 =	simm.s32 $0x0;
	s3 =	sadd.s32 s10, s13;
	[dreg:$0x12] =	wrdreg s16  }
0x1f: {  	s20 =	sadd.s32 s9, s17;
	s21 =	sadd.s32 s10, s17;
	s29 =	sadd.s32 $0x1F400, s5  }
0x20: {  	s5 =	sadd.s32 $0xC350, s4;
	s9 =	simm.s32 $0x2780;
	s10 =	simm.s32 $0x4F00  }
0x21: {  	s13 =	simm.s32 $0xC580;
	[dreg:$0x11] =	wrdreg s3;
	s3 =	sadd.s32 $0x9C40, s4  }
.LBB2_1:
0x22: {  	[tilespmem:s2], [sflag:$0x1] =	stream.linear.gather [hbm4b:s23+s2], $0x2780, $0x38;
	[tilespmem:$0x13C10] =	vst v63  }
0x23: {  	_ =	swait.ge [sflag:s8], $0x2780  }
0x24: {  	[sflag:s8] =	ssyncset.done $0x0  }
0x25: {  	[sflag:s8] =	ssyncadd.s32 $0xFFFFD880  }
0x26: {  	[tilespmem:s9], [sflag:$0x1] =	stream.linear.gather [hbm4b:s24+s2], $0x2780, $0x38;
	[tilespmem:$0x13C10] =	vst v63  }
0x27: {  	_ =	swait.ge [sflag:s8], $0x2780  }
0x28: {  	[sflag:s8] =	ssyncset.done $0x0  }
0x29: {  	s16 =	rddreg [dreg:$0x4];
	[sflag:s8] =	ssyncadd.s32 $0xFFFFD880  }
0x2a: {  	[tilespmem:s10], [sflag:$0x1] =	stream.linear.gather [hbm4b:s16+s2], $0x2710, $0x38;
	[tilespmem:$0x13C10] =	vst v63  }
0x2b: {  	_ =	swait.ge [sflag:s8], $0x2710  }
0x2c: {  	[sflag:s8] =	ssyncset.done $0x0  }
0x2d: {  	[sflag:s8] =	ssyncadd.s32 $0xFFFFD8F0  }
0x2e: {  	[tilespmem:s11], [sflag:$0x1] =	stream.linear.gather [hbm4b:s25+s2], $0x2780, $0x38;
	[tilespmem:$0x13C10] =	vst v63  }
0x2f: {  	_ =	swait.ge [sflag:s8], $0x2780  }
0x30: {  	[sflag:s8] =	ssyncset.done $0x0  }
0x31: {  	s19 =	rddreg [dreg:$0x13];
	[sflag:s8] =	ssyncadd.s32 $0xFFFFD880  }
0x32: {  	[tilespmem:s12], [sflag:$0x1] =	stream.linear.gather [hbm4b:s19+s2], $0x2710, $0x38;
	[tilespmem:$0x13C10] =	vst v63  }
0x33: {  	_ =	swait.ge [sflag:s8], $0x2710  }
0x34: {  	[sflag:s8] =	ssyncset.done $0x0  }
0x35: {  	[sflag:s8] =	ssyncadd.s32 $0xFFFFD8F0  }
0x36: {  	[tilespmem:s13], [sflag:$0x1] =	stream.linear.gather [hbm4b:s22+s2], $0x2710, $0x38;
	[tilespmem:$0x13C10] =	vst v63  }
0x37: {  	_ =	swait.ge [sflag:s8], $0x2710  }
0x38: {  	[sflag:s8] =	ssyncset.done $0x0  }
0x39: {  	s16 =	simm.s32 $0x0;
	[sflag:s8] =	ssyncadd.s32 $0xFFFFD8F0  }
0x3a: {  	v0 =	vld [tilespmem:s16+$0x9E00]  }
0x3b: {  	v1 =	vld [tilespmem:s16+$0xC580];
	_ =	sdelay $0x6  }
0x3c: {  	v0 =	vld.idx.msk [tilespmem:v0+s9+$0x0], $0xffff  }
0x3d: {  	v1 =	vld.idx.msk [tilespmem:v1+s2+$0x0], $0xffff;
	_ =	sdelay $0x4  }
0x3e: {  	v0 =	vadd.f32 v0, v1;
	_ =	sdelay $0x1  }
0x3f: {  	v1 =	vmul.f32 $2.000000030e-01, v0  }
0x40: {  	vm0 =	vgt.f32 v0, $0.0e+00  }
0x41: {  	v0 =	vsel vm0, v0, v1  }
0x42: {  	v0 =	vmul.f32 $1.442695020e+00, v0;
	_ =	sdelay $0x1  }
0x43: {  	(erf) = vpow2.f32 v0;
	_ =	sdelay $0x2  }
0x44: {  	v0 =	vld [tilespmem:s16+$0xC590]  }
0x45: {  	v1 =	vld [tilespmem:s16+$0x9E10];
	_ =	sdelay $0x4  }
0x46: {  	v2 =	vpop (erf)  }
0x47: {  	[tilespmem:s16+$0xED00] =	vst v2  }
0x48: {  	v0 =	vld.idx.msk [tilespmem:v0+s2+$0x0], $0xffff  }
0x49: {  	v1 =	vld.idx.msk [tilespmem:v1+s9+$0x0], $0xffff;
	_ =	sdelay $0x4  }
0x4a: {  	v0 =	vadd.f32 v1, v0;
	_ =	sdelay $0x1  }
0x4b: {  	v1 =	vmul.f32 $2.000000030e-01, v0  }
0x4c: {  	vm12 =	vgt.f32 v0, $0.0e+00  }
0x4d: {  	v0 =	vsel vm12, v0, v1  }
0x4e: {  	v0 =	vmul.f32 $1.442695020e+00, v0;
	_ =	sdelay $0x1  }
0x4f: {  	(erf) = vpow2.f32 v0;
	_ =	sdelay $0x2  }
0x50: {  	v0 =	vld [tilespmem:s16+$0xC5A0]  }
0x51: {  	v1 =	vld [tilespmem:s16+$0x9E20];
	_ =	sdelay $0x4  }
0x52: {  	v3 =	vpop (erf)  }
0x53: {  	[tilespmem:s16+$0xED10] =	vst v3  }
0x54: {  	v0 =	vld.idx.msk [tilespmem:v0+s2+$0x0], $0xffff  }
0x55: {  	v1 =	vld.idx.msk [tilespmem:v1+s9+$0x0], $0xffff;
	_ =	sdelay $0x4  }
0x56: {  	v0 =	vadd.f32 v1, v0;
	_ =	sdelay $0x1  }
0x57: {  	v1 =	vmul.f32 $2.000000030e-01, v0  }
0x58: {  	vm13 =	vgt.f32 v0, $0.0e+00  }
0x59: {  	v0 =	vsel vm13, v0, v1  }
0x5a: {  	v0 =	vmul.f32 $1.442695020e+00, v0;
	_ =	sdelay $0x1  }
0x5b: {  	(erf) = vpow2.f32 v0;
	_ =	sdelay $0x2  }
0x5c: {  	v0 =	vld [tilespmem:s16+$0xC5B0]  }
0x5d: {  	v1 =	vld [tilespmem:s16+$0x9E30];
	_ =	sdelay $0x4  }
0x5e: {  	v4 =	vpop (erf)  }
0x5f: {  	[tilespmem:s16+$0xED20] =	vst v4  }
0x60: {  	v0 =	vld.idx.msk [tilespmem:v0+s2+$0x0], $0xffff  }
0x61: {  	v1 =	vld.idx.msk [tilespmem:v1+s9+$0x0], $0xffff;
	_ =	sdelay $0x4  }
0x62: {  	v0 =	vadd.f32 v1, v0;
	_ =	sdelay $0x1  }
0x63: {  	v1 =	vmul.f32 $2.000000030e-01, v0  }
0x64: {  	vm14 =	vgt.f32 v0, $0.0e+00  }
0x65: {  	v0 =	vsel vm14, v0, v1  }
0x66: {  	v0 =	vmul.f32 $1.442695020e+00, v0;
	_ =	sdelay $0x1  }
0x67: {  	(erf) = vpow2.f32 v0;
	_ =	sdelay $0x2  }
0x68: {  	v0 =	vld [tilespmem:s16+$0xC5C0]  }
0x69: {  	v1 =	vld [tilespmem:s16+$0x9E40];
	_ =	sdelay $0x4  }
0x6a: {  	v5 =	vpop (erf)  }
0x6b: {  	[tilespmem:s16+$0xED30] =	vst v5  }
0x6c: {  	v0 =	vld.idx.msk [tilespmem:v0+s2+$0x0], $0xffff  }
0x6d: {  	v1 =	vld.idx.msk [tilespmem:v1+s9+$0x0], $0xffff;
	_ =	sdelay $0x4  }
0x6e: {  	v0 =	vadd.f32 v1, v0;
	_ =	sdelay $0x1  }
0x6f: {  	v1 =	vmul.f32 $2.000000030e-01, v0  }
0x70: {  	vm15 =	vgt.f32 v0, $0.0e+00  }
0x71: {  	v0 =	vsel vm15, v0, v1  }
0x72: {  	v1 =	vadd.f32 v3, v2;
	v3 =	vadd.f32 v5, v4;
	v4 =	vmul.f32 $1.442695020e+00, v0;
	_ =	sdelay $0x1  }
0x73: {  	(erf) = vpow2.f32 v4;
	_ =	sdelay $0x1  }
0x74: {  	s19 =	simm.s32 $0x50  }
0x75: {  	v2 =	vld [tilespmem:s19+$0x9E00]  }
0x76: {  	s17 =	simm.s32 $0x280;
	v0 =	vimm.f32 $0.0e+00;
	v1 =	vadd.f32 v3, v1;
	v3 =	vld [tilespmem:s19+$0xC580]  }
.LBB2_2:
0x77: {  	_ =	sdelay $0x1  }
0x78: {  	p0 =	sne.s32 s17, $0x9B00;
	s18 =	smov.u32 s17;
	s17 =	sadd.s32 $0x140, s17  }
0x79: {  	_ = 	snop  }
0x7a: {  	v4 =	vpop (erf)  }
0x7b: {  	[tilespmem:s16+$0xED40] =	vst v4;
	v1 =	vadd.f32 v4, v1;
	s16 =	smov.u32 s19  }
0x7c: {  	v2 =	vld.idx.msk [tilespmem:v2+s9+$0x0], $0xffff  }
0x7d: {  	v3 =	vld.idx.msk [tilespmem:v3+s2+$0x0], $0xffff;
	v0 =	vadd.f32 v1, v0;
	_ =	sdelay $0x5  }
0x7e: {  	v1 =	vadd.f32 v2, v3;
	_ =	sdelay $0x1  }
0x7f: {  	vm0 =	vgt.f32 v1, $0.0e+00;
	v2 =	vmul.f32 $2.000000030e-01, v1;
	_ =	sdelay $0x1  }
0x80: {  	v1 =	vsel vm0, v1, v2  }
0x81: {  	v1 =	vmul.f32 $1.442695020e+00, v1;
	_ =	sdelay $0x1  }
0x82: {  	(erf) = vpow2.f32 v1;
	_ =	sdelay $0x1  }
0x83: {  	v1 =	vld [tilespmem:s16+$0xC590]  }
0x84: {  	v2 =	vld [tilespmem:s16+$0x9E10];
	_ =	sdelay $0x5  }
0x85: {  	v3 =	vpop (erf)  }
0x86: {  	[tilespmem:s16+$0xED00] =	vst v3  }
0x87: {  	v1 =	vld.idx.msk [tilespmem:v1+s2+$0x0], $0xffff  }
0x88: {  	v2 =	vld.idx.msk [tilespmem:v2+s9+$0x0], $0xffff;
	_ =	sdelay $0x5  }
0x89: {  	v1 =	vadd.f32 v2, v1;
	_ =	sdelay $0x1  }
0x8a: {  	vm0 =	vgt.f32 v1, $0.0e+00;
	v2 =	vmul.f32 $2.000000030e-01, v1;
	_ =	sdelay $0x1  }
0x8b: {  	v1 =	vsel vm0, v1, v2  }
0x8c: {  	v1 =	vmul.f32 $1.442695020e+00, v1;
	_ =	sdelay $0x1  }
0x8d: {  	(erf) = vpow2.f32 v1;
	_ =	sdelay $0x1  }
0x8e: {  	v1 =	vld [tilespmem:s16+$0xC5A0]  }
0x8f: {  	v2 =	vld [tilespmem:s16+$0x9E20];
	_ =	sdelay $0x5  }
0x90: {  	v4 =	vpop (erf)  }
0x91: {  	[tilespmem:s16+$0xED10] =	vst v4;
	v3 =	vadd.f32 v4, v3  }
0x92: {  	v1 =	vld.idx.msk [tilespmem:v1+s2+$0x0], $0xffff  }
0x93: {  	v2 =	vld.idx.msk [tilespmem:v2+s9+$0x0], $0xffff;
	_ =	sdelay $0x5  }
0x94: {  	v1 =	vadd.f32 v2, v1;
	_ =	sdelay $0x1  }
0x95: {  	vm0 =	vgt.f32 v1, $0.0e+00;
	v2 =	vmul.f32 $2.000000030e-01, v1;
	_ =	sdelay $0x1  }
0x96: {  	v1 =	vsel vm0, v1, v2  }
0x97: {  	v1 =	vmul.f32 $1.442695020e+00, v1;
	_ =	sdelay $0x1  }
0x98: {  	(erf) = vpow2.f32 v1;
	_ =	sdelay $0x1  }
0x99: {  	v1 =	vld [tilespmem:s16+$0xC5B0]  }
0x9a: {  	v2 =	vld [tilespmem:s16+$0x9E30];
	_ =	sdelay $0x5  }
0x9b: {  	v4 =	vpop (erf)  }
0x9c: {  	[tilespmem:s16+$0xED20] =	vst v4  }
0x9d: {  	v1 =	vld.idx.msk [tilespmem:v1+s2+$0x0], $0xffff  }
0x9e: {  	v2 =	vld.idx.msk [tilespmem:v2+s9+$0x0], $0xffff;
	_ =	sdelay $0x5  }
0x9f: {  	v1 =	vadd.f32 v2, v1;
	_ =	sdelay $0x1  }
0xa0: {  	vm0 =	vgt.f32 v1, $0.0e+00;
	v2 =	vmul.f32 $2.000000030e-01, v1;
	_ =	sdelay $0x1  }
0xa1: {  	v1 =	vsel vm0, v1, v2  }
0xa2: {  	v1 =	vmul.f32 $1.442695020e+00, v1;
	_ =	sdelay $0x1  }
0xa3: {  	(erf) = vpow2.f32 v1;
	_ =	sdelay $0x1  }
0xa4: {  	v1 =	vld [tilespmem:s16+$0xC5C0]  }
0xa5: {  	v2 =	vld [tilespmem:s16+$0x9E40];
	_ =	sdelay $0x5  }
0xa6: {  	v5 =	vpop (erf)  }
0xa7: {  	[tilespmem:s16+$0xED30] =	vst v5;
	v4 =	vadd.f32 v5, v4  }
0xa8: {  	v1 =	vld.idx.msk [tilespmem:v1+s2+$0x0], $0xffff  }
0xa9: {  	v2 =	vld.idx.msk [tilespmem:v2+s9+$0x0], $0xffff;
	_ =	sdelay $0x5  }
0xaa: {  	v1 =	vadd.f32 v2, v1;
	_ =	sdelay $0x1  }
0xab: {  	vm0 =	vgt.f32 v1, $0.0e+00;
	v2 =	vmul.f32 $2.000000030e-01, v1;
	_ =	sdelay $0x1  }
0xac: {  	v1 =	vsel vm0, v1, v2  }
0xad: {  	v1 =	vmul.f32 $1.442695020e+00, v1;
	_ =	sdelay $0x1  }
.Ltmp0:
0xae: {  	(erf) = vpow2.f32 v1;
	(pc) =	sbr.rel @p0 .LBB2_2-.Ltmp0, $4  }
0xaf: {  	_ = 	snop  }
0xb0: {  	s19 =	sshra.s32 s18, $0x2  }
0xb1: {  	v1 =	vadd.f32 v4, v3;
	v2 =	vld [tilespmem:s19+$0x9E00]  }
0xb2: {  	v3 =	vld [tilespmem:s19+$0xC580]  }
0xb3: {  	_ =	sdelay $0x4  }
0xb4: {  	v4 =	vpop (erf)  }
0xb5: {  	[tilespmem:s16+$0xED40] =	vst v4  }
0xb6: {  	v2 =	vld.idx.msk [tilespmem:v2+s9+$0x0], $0xffff  }
0xb7: {  	v3 =	vld.idx.msk [tilespmem:v3+s2+$0x0], $0xffff;
	_ =	sdelay $0x4  }
0xb8: {  	v2 =	vadd.f32 v2, v3;
	_ =	sdelay $0x1  }
0xb9: {  	v3 =	vmul.f32 $2.000000030e-01, v2  }
0xba: {  	vm0 =	vgt.f32 v2, $0.0e+00  }
0xbb: {  	v2 =	vsel vm0, v2, v3  }
0xbc: {  	v2 =	vmul.f32 $1.442695020e+00, v2;
	_ =	sdelay $0x1  }
0xbd: {  	(erf) = vpow2.f32 v2;
	_ =	sdelay $0x2  }
0xbe: {  	v52 =	vld [tilespmem:s19+$0xC590]  }
0xbf: {  	v53 =	vld [tilespmem:s19+$0x9E10];
	_ =	sdelay $0x4  }
0xc0: {  	v5 =	vpop (erf)  }
0xc1: {  	[tilespmem:s19+$0xED00] =	vst v5  }
0xc2: {  	v2 =	vld.idx.msk [tilespmem:v52+s2+$0x0], $0xffff  }
0xc3: {  	v3 =	vld.idx.msk [tilespmem:v53+s9+$0x0], $0xffff;
	_ =	sdelay $0x4  }
0xc4: {  	v2 =	vadd.f32 v3, v2;
	_ =	sdelay $0x1  }
0xc5: {  	v3 =	vmul.f32 $2.000000030e-01, v2  }
0xc6: {  	vm12 =	vgt.f32 v2, $0.0e+00  }
0xc7: {  	v2 =	vsel vm12, v2, v3  }
0xc8: {  	v2 =	vmul.f32 $1.442695020e+00, v2;
	_ =	sdelay $0x1  }
0xc9: {  	(erf) = vpow2.f32 v2;
	_ =	sdelay $0x2  }
0xca: {  	v54 =	vld [tilespmem:s19+$0xC5A0]  }
0xcb: {  	v55 =	vld [tilespmem:s19+$0x9E20];
	_ =	sdelay $0x4  }
0xcc: {  	v6 =	vpop (erf)  }
0xcd: {  	[tilespmem:s19+$0xED10] =	vst v6  }
0xce: {  	v2 =	vld.idx.msk [tilespmem:v54+s2+$0x0], $0xffff  }
0xcf: {  	v3 =	vld.idx.msk [tilespmem:v55+s9+$0x0], $0xffff;
	_ =	sdelay $0x4  }
0xd0: {  	v2 =	vadd.f32 v3, v2;
	_ =	sdelay $0x1  }
0xd1: {  	v3 =	vmul.f32 $2.000000030e-01, v2  }
0xd2: {  	vm13 =	vgt.f32 v2, $0.0e+00  }
0xd3: {  	v2 =	vsel vm13, v2, v3  }
0xd4: {  	v2 =	vmul.f32 $1.442695020e+00, v2;
	_ =	sdelay $0x1  }
0xd5: {  	(erf) = vpow2.f32 v2;
	_ =	sdelay $0x2  }
0xd6: {  	v56 =	vld [tilespmem:s19+$0xC5B0]  }
0xd7: {  	v57 =	vld [tilespmem:s19+$0x9E30];
	_ =	sdelay $0x4  }
0xd8: {  	v7 =	vpop (erf)  }
0xd9: {  	[tilespmem:s19+$0xED20] =	vst v7  }
0xda: {  	v2 =	vld.idx.msk [tilespmem:v56+s2+$0x0], $0xffff  }
0xdb: {  	v3 =	vld.idx.msk [tilespmem:v57+s9+$0x0], $0xffff;
	_ =	sdelay $0x4  }
0xdc: {  	v2 =	vadd.f32 v3, v2;
	_ =	sdelay $0x1  }
0xdd: {  	v3 =	vmul.f32 $2.000000030e-01, v2  }
0xde: {  	vm14 =	vgt.f32 v2, $0.0e+00  }
0xdf: {  	v2 =	vsel vm14, v2, v3  }
0xe0: {  	v2 =	vmul.f32 $1.442695020e+00, v2;
	_ =	sdelay $0x1  }
0xe1: {  	(erf) = vpow2.f32 v2;
	_ =	sdelay $0x2  }
0xe2: {  	v58 =	vld [tilespmem:s19+$0xC5C0]  }
0xe3: {  	v59 =	vld [tilespmem:s19+$0x9E40];
	_ =	sdelay $0x4  }
0xe4: {  	v8 =	vpop (erf)  }
0xe5: {  	[tilespmem:s19+$0xED30] =	vst v8  }
0xe6: {  	v2 =	vld.idx.msk [tilespmem:v58+s2+$0x0], $0xffff  }
0xe7: {  	v3 =	vld.idx.msk [tilespmem:v59+s9+$0x0], $0xffff;
	_ =	sdelay $0x4  }
0xe8: {  	v2 =	vadd.f32 v3, v2;
	_ =	sdelay $0x1  }
0xe9: {  	v3 =	vmul.f32 $2.000000030e-01, v2  }
0xea: {  	vm15 =	vgt.f32 v2, $0.0e+00  }
0xeb: {  	v2 =	vsel vm15, v2, v3  }
0xec: {  	v2 =	vmul.f32 $1.442695020e+00, v2;
	_ =	sdelay $0x1  }
0xed: {  	(erf) = vpow2.f32 v2;
	_ =	sdelay $0x5  }
0xee: {  	v60 =	vadd.f32 v6, v5;
	v61 =	vadd.f32 v8, v7;
	_ =	sdelay $0x1  }
0xef: {  	v1 =	vadd.f32 v4, v1;
	v2 =	vadd.f32 v61, v60  }
0xf0: {  	v62 =	vpop (erf)  }
0xf1: {  	v0 =	vadd.f32 v1, v0;
	v63 =	vadd.f32 v62, v2;
	_ =	sdelay $0x1  }
0xf2: {  	v0 =	vadd.f32 v63, v0  }
0xf3: {  	[tilespmem:s19+$0xED40] =	vst v62  }
0xf4: {  	[tilespmem:$0x11480] =	vst v0  }
0xf5: {  	[spmem:s26] =	stream.linear.scatter [tilespmem:s14], [sflag:$0x1], $0x2710, $0x38;
	[tilespmem:$0x13C10] =	vst v63  }
0xf6: {  	_ =	swait.ge [sflag:s8], $0x2710  }
0xf7: {  	[sflag:s8] =	ssyncset.done $0x0  }
0xf8: {  	[sflag:s8] =	ssyncadd.s32 $0xFFFFD8F0  }
0xf9: {  	[bflag:$0x0] =	sbarrier.arrive $0xFFFF  }
0xfa: {  	s16 =	simm.s32 $0x0;
	s17 =	rddreg [dreg:$0x5]  }
0xfb: {  	[tilespmem:s12], [sflag:$0x1] =	stream.linear.gather [hbm4b:s17+s16], $0x2710, $0x38;
	[tilespmem:$0x13C10] =	vst v63  }
0xfc: {  	_ =	swait.ge [sflag:s8], $0x2710  }
0xfd: {  	[sflag:s8] =	ssyncset.done $0x0  }
0xfe: {  	s19 =	rddreg [dreg:$0x12];
	[sflag:s8] =	ssyncadd.s32 $0xFFFFD8F0  }
0xff: {  	[tilespmem:s13], [sflag:$0x1] =	stream.linear.gather [hbm4b:s19+s16], $0x2710, $0x38;
	[tilespmem:$0x13C10] =	vst v63  }
0x100: {  	_ =	swait.ge [sflag:s8], $0x2710  }
0x101: {  	[sflag:s8] =	ssyncset.done $0x0  }
0x102: {  	[sflag:s8] =	ssyncadd.s32 $0xFFFFD8F0  }
0x103: {  	[tilespmem:s14], [sflag:$0x1] =	stream.linear.gather [spmem:s4], $0x2710, $0x38;
	[tilespmem:$0x13C10] =	vst v63  }
0x104: {  	_ =	swait.ge [sflag:s8], $0x2710  }
0x105: {  	[sflag:s8] =	ssyncset.done $0x0  }
0x106: {  	[sflag:s8] =	ssyncadd.s32 $0xFFFFD8F0  }
.LBB2_4:
0x107: {  	s17 =	sshra.s32 s16, $0x2  }
0x108: {  	v0 =	vld [tilespmem:s17+$0x9E00];
	_ =	sdelay $0x5  }
0x109: {  	v1 =	vld [tilespmem:s17+$0xC580]  }
0x10a: {  	v2 =	vld [tilespmem:s17+$0xED00]  }
0x10b: {  	v0 =	vld.idx.msk [tilespmem:v0+s10+$0x0], $0xffff;
	_ =	sdelay $0x4  }
0x10c: {  	v0 =	vmul.f32 v0, v2;
	_ =	sdelay $0x1  }
0x10d: {  	[tilespmem:v1+s11+$0x0] =	vst.idx.add.f32.msk $0xffff, v0  }
0x10e: {  	v0 =	vld [tilespmem:s17+$0x9E10];
	_ =	sdelay $0x5  }
0x10f: {  	v1 =	vld [tilespmem:s17+$0xC590]  }
0x110: {  	v60 =	vld [tilespmem:s17+$0xED10]  }
0x111: {  	v0 =	vld.idx.msk [tilespmem:v0+s10+$0x0], $0xffff;
	_ =	sdelay $0x4  }
0x112: {  	v0 =	vmul.f32 v0, v60;
	_ =	sdelay $0x1  }
0x113: {  	[tilespmem:v1+s11+$0x0] =	vst.idx.add.f32.msk $0xffff, v0  }
0x114: {  	v0 =	vld [tilespmem:s17+$0x9E20];
	_ =	sdelay $0x5  }
0x115: {  	v1 =	vld [tilespmem:s17+$0xC5A0]  }
0x116: {  	v61 =	vld [tilespmem:s17+$0xED20]  }
0x117: {  	v0 =	vld.idx.msk [tilespmem:v0+s10+$0x0], $0xffff;
	_ =	sdelay $0x4  }
0x118: {  	v0 =	vmul.f32 v0, v61;
	_ =	sdelay $0x1  }
0x119: {  	[tilespmem:v1+s11+$0x0] =	vst.idx.add.f32.msk $0xffff, v0  }
0x11a: {  	v0 =	vld [tilespmem:s17+$0x9E30];
	_ =	sdelay $0x5  }
0x11b: {  	v1 =	vld [tilespmem:s17+$0xC5B0]  }
0x11c: {  	v62 =	vld [tilespmem:s17+$0xED30]  }
0x11d: {  	v0 =	vld.idx.msk [tilespmem:v0+s10+$0x0], $0xffff;
	_ =	sdelay $0x4  }
0x11e: {  	v0 =	vmul.f32 v0, v62;
	_ =	sdelay $0x1  }
0x11f: {  	[tilespmem:v1+s11+$0x0] =	vst.idx.add.f32.msk $0xffff, v0  }
0x120: {  	v0 =	vld [tilespmem:s17+$0x9E40];
	_ =	sdelay $0x5  }
0x121: {  	v1 =	vld [tilespmem:s17+$0xC5C0]  }
0x122: {  	v63 =	vld [tilespmem:s17+$0xED40]  }
0x123: {  	v0 =	vld.idx.msk [tilespmem:v0+s10+$0x0], $0xffff;
	_ =	sdelay $0x1  }
0x124: {  	p0 =	sne.s32 s16, $0x9B00  }
.Ltmp1:
0x125: {  	_ = 	snop;
	(pc) =	sbr.rel @p0 .LBB2_4-.Ltmp1, $3  }
0x126: {  	_ = 	snop  }
0x127: {  	v0 =	vmul.f32 v0, v63;
	_ =	sdelay $0x1  }
0x128: {  	s16 =	sadd.s32 $0x140, s16;
	[tilespmem:v1+s11+$0x0] =	vst.idx.add.f32.msk $0xffff, v0  }
0x129: {  	s16 =	simm.s32 $0x0;
	s17 =	rddreg [dreg:$0x6]  }
0x12a: {  	[tilespmem:s12], [sflag:$0x1] =	stream.linear.gather [hbm4b:s17+s16], $0x2710, $0x38;
	[tilespmem:$0x13C10] =	vst v63  }
0x12b: {  	_ =	swait.ge [sflag:s8], $0x2710  }
0x12c: {  	[sflag:s8] =	ssyncset.done $0x0  }
0x12d: {  	s19 =	rddreg [dreg:$0x7];
	[sflag:s8] =	ssyncadd.s32 $0xFFFFD8F0  }
0x12e: {  	[tilespmem:s13], [sflag:$0x1] =	stream.linear.gather [hbm4b:s19+s16], $0x2710, $0x38;
	[tilespmem:$0x13C10] =	vst v63  }
0x12f: {  	_ =	swait.ge [sflag:s8], $0x2710  }
0x130: {  	[sflag:s8] =	ssyncset.done $0x0  }
0x131: {  	[sflag:s8] =	ssyncadd.s32 $0xFFFFD8F0  }
0x132: {  	[tilespmem:s14], [sflag:$0x1] =	stream.linear.gather [spmem:s31], $0x2710, $0x38;
	[tilespmem:$0x13C10] =	vst v63  }
0x133: {  	_ =	swait.ge [sflag:s8], $0x2710  }
0x134: {  	[sflag:s8] =	ssyncset.done $0x0  }
0x135: {  	[sflag:s8] =	ssyncadd.s32 $0xFFFFD8F0  }
.LBB2_6:
0x136: {  	s17 =	sshra.s32 s16, $0x2  }
0x137: {  	v0 =	vld [tilespmem:s17+$0x9E00];
	_ =	sdelay $0x5  }
0x138: {  	v1 =	vld [tilespmem:s17+$0xC580]  }
0x139: {  	v2 =	vld [tilespmem:s17+$0xED00]  }
0x13a: {  	v0 =	vld.idx.msk [tilespmem:v0+s10+$0x0], $0xffff;
	_ =	sdelay $0x4  }
0x13b: {  	v0 =	vmul.f32 v0, v2;
	_ =	sdelay $0x1  }
0x13c: {  	[tilespmem:v1+s11+$0x0] =	vst.idx.add.f32.msk $0xffff, v0  }
0x13d: {  	v0 =	vld [tilespmem:s17+$0x9E10];
	_ =	sdelay $0x5  }
0x13e: {  	v1 =	vld [tilespmem:s17+$0xC590]  }
0x13f: {  	v60 =	vld [tilespmem:s17+$0xED10]  }
0x140: {  	v0 =	vld.idx.msk [tilespmem:v0+s10+$0x0], $0xffff;
	_ =	sdelay $0x4  }
0x141: {  	v0 =	vmul.f32 v0, v60;
	_ =	sdelay $0x1  }
0x142: {  	[tilespmem:v1+s11+$0x0] =	vst.idx.add.f32.msk $0xffff, v0  }
0x143: {  	v0 =	vld [tilespmem:s17+$0x9E20];
	_ =	sdelay $0x5  }
0x144: {  	v1 =	vld [tilespmem:s17+$0xC5A0]  }
0x145: {  	v61 =	vld [tilespmem:s17+$0xED20]  }
0x146: {  	v0 =	vld.idx.msk [tilespmem:v0+s10+$0x0], $0xffff;
	_ =	sdelay $0x4  }
0x147: {  	v0 =	vmul.f32 v0, v61;
	_ =	sdelay $0x1  }
0x148: {  	[tilespmem:v1+s11+$0x0] =	vst.idx.add.f32.msk $0xffff, v0  }
0x149: {  	v0 =	vld [tilespmem:s17+$0x9E30];
	_ =	sdelay $0x5  }
0x14a: {  	v1 =	vld [tilespmem:s17+$0xC5B0]  }
0x14b: {  	v62 =	vld [tilespmem:s17+$0xED30]  }
0x14c: {  	v0 =	vld.idx.msk [tilespmem:v0+s10+$0x0], $0xffff;
	_ =	sdelay $0x4  }
0x14d: {  	v0 =	vmul.f32 v0, v62;
	_ =	sdelay $0x1  }
0x14e: {  	[tilespmem:v1+s11+$0x0] =	vst.idx.add.f32.msk $0xffff, v0  }
0x14f: {  	v0 =	vld [tilespmem:s17+$0x9E40];
	_ =	sdelay $0x5  }
0x150: {  	v1 =	vld [tilespmem:s17+$0xC5C0]  }
0x151: {  	v63 =	vld [tilespmem:s17+$0xED40]  }
0x152: {  	v0 =	vld.idx.msk [tilespmem:v0+s10+$0x0], $0xffff;
	_ =	sdelay $0x1  }
0x153: {  	p0 =	sne.s32 s16, $0x9B00  }
.Ltmp2:
0x154: {  	_ = 	snop;
	(pc) =	sbr.rel @p0 .LBB2_6-.Ltmp2, $3  }
0x155: {  	_ = 	snop  }
0x156: {  	v0 =	vmul.f32 v0, v63;
	_ =	sdelay $0x1  }
0x157: {  	s16 =	sadd.s32 $0x140, s16;
	[tilespmem:v1+s11+$0x0] =	vst.idx.add.f32.msk $0xffff, v0  }
0x158: {  	s16 =	simm.s32 $0x0;
	s17 =	rddreg [dreg:$0x8]  }
0x159: {  	[tilespmem:s12], [sflag:$0x1] =	stream.linear.gather [hbm4b:s17+s16], $0x2710, $0x38;
	[tilespmem:$0x13C10] =	vst v63  }
0x15a: {  	_ =	swait.ge [sflag:s8], $0x2710  }
0x15b: {  	[sflag:s8] =	ssyncset.done $0x0  }
0x15c: {  	s19 =	rddreg [dreg:$0x9];
	[sflag:s8] =	ssyncadd.s32 $0xFFFFD8F0  }
0x15d: {  	[tilespmem:s13], [sflag:$0x1] =	stream.linear.gather [hbm4b:s19+s16], $0x2710, $0x38;
	[tilespmem:$0x13C10] =	vst v63  }
0x15e: {  	_ =	swait.ge [sflag:s8], $0x2710  }
0x15f: {  	[sflag:s8] =	ssyncset.done $0x0  }
0x160: {  	[sflag:s8] =	ssyncadd.s32 $0xFFFFD8F0  }
0x161: {  	[tilespmem:s14], [sflag:$0x1] =	stream.linear.gather [spmem:s1], $0x2710, $0x38;
	[tilespmem:$0x13C10] =	vst v63  }
0x162: {  	_ =	swait.ge [sflag:s8], $0x2710  }
0x163: {  	[sflag:s8] =	ssyncset.done $0x0  }
0x164: {  	[sflag:s8] =	ssyncadd.s32 $0xFFFFD8F0  }
.LBB2_8:
0x165: {  	s17 =	sshra.s32 s16, $0x2  }
0x166: {  	v0 =	vld [tilespmem:s17+$0x9E00];
	_ =	sdelay $0x5  }
0x167: {  	v1 =	vld [tilespmem:s17+$0xC580]  }
0x168: {  	v2 =	vld [tilespmem:s17+$0xED00]  }
0x169: {  	v0 =	vld.idx.msk [tilespmem:v0+s10+$0x0], $0xffff;
	_ =	sdelay $0x4  }
0x16a: {  	v0 =	vmul.f32 v0, v2;
	_ =	sdelay $0x1  }
0x16b: {  	[tilespmem:v1+s11+$0x0] =	vst.idx.add.f32.msk $0xffff, v0  }
0x16c: {  	v0 =	vld [tilespmem:s17+$0x9E10];
	_ =	sdelay $0x5  }
0x16d: {  	v1 =	vld [tilespmem:s17+$0xC590]  }
0x16e: {  	v60 =	vld [tilespmem:s17+$0xED10]  }
0x16f: {  	v0 =	vld.idx.msk [tilespmem:v0+s10+$0x0], $0xffff;
	_ =	sdelay $0x4  }
0x170: {  	v0 =	vmul.f32 v0, v60;
	_ =	sdelay $0x1  }
0x171: {  	[tilespmem:v1+s11+$0x0] =	vst.idx.add.f32.msk $0xffff, v0  }
0x172: {  	v0 =	vld [tilespmem:s17+$0x9E20];
	_ =	sdelay $0x5  }
0x173: {  	v1 =	vld [tilespmem:s17+$0xC5A0]  }
0x174: {  	v61 =	vld [tilespmem:s17+$0xED20]  }
0x175: {  	v0 =	vld.idx.msk [tilespmem:v0+s10+$0x0], $0xffff;
	_ =	sdelay $0x4  }
0x176: {  	v0 =	vmul.f32 v0, v61;
	_ =	sdelay $0x1  }
0x177: {  	[tilespmem:v1+s11+$0x0] =	vst.idx.add.f32.msk $0xffff, v0  }
0x178: {  	v0 =	vld [tilespmem:s17+$0x9E30];
	_ =	sdelay $0x5  }
0x179: {  	v1 =	vld [tilespmem:s17+$0xC5B0]  }
0x17a: {  	v62 =	vld [tilespmem:s17+$0xED30]  }
0x17b: {  	v0 =	vld.idx.msk [tilespmem:v0+s10+$0x0], $0xffff;
	_ =	sdelay $0x4  }
0x17c: {  	v0 =	vmul.f32 v0, v62;
	_ =	sdelay $0x1  }
0x17d: {  	[tilespmem:v1+s11+$0x0] =	vst.idx.add.f32.msk $0xffff, v0  }
0x17e: {  	v0 =	vld [tilespmem:s17+$0x9E40];
	_ =	sdelay $0x5  }
0x17f: {  	v1 =	vld [tilespmem:s17+$0xC5C0]  }
0x180: {  	v63 =	vld [tilespmem:s17+$0xED40]  }
0x181: {  	v0 =	vld.idx.msk [tilespmem:v0+s10+$0x0], $0xffff;
	_ =	sdelay $0x1  }
0x182: {  	p0 =	sne.s32 s16, $0x9B00  }
.Ltmp3:
0x183: {  	_ = 	snop;
	(pc) =	sbr.rel @p0 .LBB2_8-.Ltmp3, $3  }
0x184: {  	_ = 	snop  }
0x185: {  	v0 =	vmul.f32 v0, v63;
	_ =	sdelay $0x1  }
0x186: {  	s16 =	sadd.s32 $0x140, s16;
	[tilespmem:v1+s11+$0x0] =	vst.idx.add.f32.msk $0xffff, v0  }
0x187: {  	s16 =	simm.s32 $0x0;
	s17 =	rddreg [dreg:$0xa]  }
0x188: {  	[tilespmem:s12], [sflag:$0x1] =	stream.linear.gather [hbm4b:s17+s16], $0x2710, $0x38;
	[tilespmem:$0x13C10] =	vst v63  }
0x189: {  	_ =	swait.ge [sflag:s8], $0x2710  }
0x18a: {  	[sflag:s8] =	ssyncset.done $0x0  }
0x18b: {  	s19 =	rddreg [dreg:$0xb];
	[sflag:s8] =	ssyncadd.s32 $0xFFFFD8F0  }
0x18c: {  	[tilespmem:s13], [sflag:$0x1] =	stream.linear.gather [hbm4b:s19+s16], $0x2710, $0x38;
	[tilespmem:$0x13C10] =	vst v63  }
0x18d: {  	_ =	swait.ge [sflag:s8], $0x2710  }
0x18e: {  	[sflag:s8] =	ssyncset.done $0x0  }
0x18f: {  	[sflag:s8] =	ssyncadd.s32 $0xFFFFD8F0  }
0x190: {  	[tilespmem:s14], [sflag:$0x1] =	stream.linear.gather [spmem:s0], $0x2710, $0x38;
	[tilespmem:$0x13C10] =	vst v63  }
0x191: {  	_ =	swait.ge [sflag:s8], $0x2710  }
0x192: {  	[sflag:s8] =	ssyncset.done $0x0  }
0x193: {  	[sflag:s8] =	ssyncadd.s32 $0xFFFFD8F0  }
.LBB2_10:
0x194: {  	s17 =	sshra.s32 s16, $0x2  }
0x195: {  	v0 =	vld [tilespmem:s17+$0x9E00];
	_ =	sdelay $0x5  }
0x196: {  	v1 =	vld [tilespmem:s17+$0xC580]  }
0x197: {  	v2 =	vld [tilespmem:s17+$0xED00]  }
0x198: {  	v0 =	vld.idx.msk [tilespmem:v0+s10+$0x0], $0xffff;
	_ =	sdelay $0x4  }
0x199: {  	v0 =	vmul.f32 v0, v2;
	_ =	sdelay $0x1  }
0x19a: {  	[tilespmem:v1+s11+$0x0] =	vst.idx.add.f32.msk $0xffff, v0  }
0x19b: {  	v0 =	vld [tilespmem:s17+$0x9E10];
	_ =	sdelay $0x5  }
0x19c: {  	v1 =	vld [tilespmem:s17+$0xC590]  }
0x19d: {  	v60 =	vld [tilespmem:s17+$0xED10]  }
0x19e: {  	v0 =	vld.idx.msk [tilespmem:v0+s10+$0x0], $0xffff;
	_ =	sdelay $0x4  }
0x19f: {  	v0 =	vmul.f32 v0, v60;
	_ =	sdelay $0x1  }
0x1a0: {  	[tilespmem:v1+s11+$0x0] =	vst.idx.add.f32.msk $0xffff, v0  }
0x1a1: {  	v0 =	vld [tilespmem:s17+$0x9E20];
	_ =	sdelay $0x5  }
0x1a2: {  	v1 =	vld [tilespmem:s17+$0xC5A0]  }
0x1a3: {  	v61 =	vld [tilespmem:s17+$0xED20]  }
0x1a4: {  	v0 =	vld.idx.msk [tilespmem:v0+s10+$0x0], $0xffff;
	_ =	sdelay $0x4  }
0x1a5: {  	v0 =	vmul.f32 v0, v61;
	_ =	sdelay $0x1  }
0x1a6: {  	[tilespmem:v1+s11+$0x0] =	vst.idx.add.f32.msk $0xffff, v0  }
0x1a7: {  	v0 =	vld [tilespmem:s17+$0x9E30];
	_ =	sdelay $0x5  }
0x1a8: {  	v1 =	vld [tilespmem:s17+$0xC5B0]  }
0x1a9: {  	v62 =	vld [tilespmem:s17+$0xED30]  }
0x1aa: {  	v0 =	vld.idx.msk [tilespmem:v0+s10+$0x0], $0xffff;
	_ =	sdelay $0x4  }
0x1ab: {  	v0 =	vmul.f32 v0, v62;
	_ =	sdelay $0x1  }
0x1ac: {  	[tilespmem:v1+s11+$0x0] =	vst.idx.add.f32.msk $0xffff, v0  }
0x1ad: {  	v0 =	vld [tilespmem:s17+$0x9E40];
	_ =	sdelay $0x5  }
0x1ae: {  	v1 =	vld [tilespmem:s17+$0xC5C0]  }
0x1af: {  	v63 =	vld [tilespmem:s17+$0xED40]  }
0x1b0: {  	v0 =	vld.idx.msk [tilespmem:v0+s10+$0x0], $0xffff;
	_ =	sdelay $0x1  }
0x1b1: {  	p0 =	sne.s32 s16, $0x9B00  }
.Ltmp4:
0x1b2: {  	_ = 	snop;
	(pc) =	sbr.rel @p0 .LBB2_10-.Ltmp4, $3  }
0x1b3: {  	_ = 	snop  }
0x1b4: {  	v0 =	vmul.f32 v0, v63;
	_ =	sdelay $0x1  }
0x1b5: {  	s16 =	sadd.s32 $0x140, s16;
	[tilespmem:v1+s11+$0x0] =	vst.idx.add.f32.msk $0xffff, v0  }
0x1b6: {  	s16 =	simm.s32 $0x0;
	s17 =	rddreg [dreg:$0xc]  }
0x1b7: {  	[tilespmem:s12], [sflag:$0x1] =	stream.linear.gather [hbm4b:s17+s16], $0x2710, $0x38;
	[tilespmem:$0x13C10] =	vst v63  }
0x1b8: {  	_ =	swait.ge [sflag:s8], $0x2710  }
0x1b9: {  	[sflag:s8] =	ssyncset.done $0x0  }
0x1ba: {  	s19 =	rddreg [dreg:$0xd];
	[sflag:s8] =	ssyncadd.s32 $0xFFFFD8F0  }
0x1bb: {  	[tilespmem:s13], [sflag:$0x1] =	stream.linear.gather [hbm4b:s19+s16], $0x2710, $0x38;
	[tilespmem:$0x13C10] =	vst v63  }
0x1bc: {  	_ =	swait.ge [sflag:s8], $0x2710  }
0x1bd: {  	[sflag:s8] =	ssyncset.done $0x0  }
0x1be: {  	[sflag:s8] =	ssyncadd.s32 $0xFFFFD8F0  }
0x1bf: {  	[tilespmem:s14], [sflag:$0x1] =	stream.linear.gather [spmem:s3], $0x2710, $0x38;
	[tilespmem:$0x13C10] =	vst v63  }
0x1c0: {  	_ =	swait.ge [sflag:s8], $0x2710  }
0x1c1: {  	[sflag:s8] =	ssyncset.done $0x0  }
0x1c2: {  	[sflag:s8] =	ssyncadd.s32 $0xFFFFD8F0  }
.LBB2_12:
0x1c3: {  	s17 =	sshra.s32 s16, $0x2  }
0x1c4: {  	v0 =	vld [tilespmem:s17+$0x9E00];
	_ =	sdelay $0x5  }
0x1c5: {  	v1 =	vld [tilespmem:s17+$0xC580]  }
0x1c6: {  	v2 =	vld [tilespmem:s17+$0xED00]  }
0x1c7: {  	v0 =	vld.idx.msk [tilespmem:v0+s10+$0x0], $0xffff;
	_ =	sdelay $0x4  }
0x1c8: {  	v0 =	vmul.f32 v0, v2;
	_ =	sdelay $0x1  }
0x1c9: {  	[tilespmem:v1+s11+$0x0] =	vst.idx.add.f32.msk $0xffff, v0  }
0x1ca: {  	v0 =	vld [tilespmem:s17+$0x9E10];
	_ =	sdelay $0x5  }
0x1cb: {  	v1 =	vld [tilespmem:s17+$0xC590]  }
0x1cc: {  	v60 =	vld [tilespmem:s17+$0xED10]  }
0x1cd: {  	v0 =	vld.idx.msk [tilespmem:v0+s10+$0x0], $0xffff;
	_ =	sdelay $0x4  }
0x1ce: {  	v0 =	vmul.f32 v0, v60;
	_ =	sdelay $0x1  }
0x1cf: {  	[tilespmem:v1+s11+$0x0] =	vst.idx.add.f32.msk $0xffff, v0  }
0x1d0: {  	v0 =	vld [tilespmem:s17+$0x9E20];
	_ =	sdelay $0x5  }
0x1d1: {  	v1 =	vld [tilespmem:s17+$0xC5A0]  }
0x1d2: {  	v61 =	vld [tilespmem:s17+$0xED20]  }
0x1d3: {  	v0 =	vld.idx.msk [tilespmem:v0+s10+$0x0], $0xffff;
	_ =	sdelay $0x4  }
0x1d4: {  	v0 =	vmul.f32 v0, v61;
	_ =	sdelay $0x1  }
0x1d5: {  	[tilespmem:v1+s11+$0x0] =	vst.idx.add.f32.msk $0xffff, v0  }
0x1d6: {  	v0 =	vld [tilespmem:s17+$0x9E30];
	_ =	sdelay $0x5  }
0x1d7: {  	v1 =	vld [tilespmem:s17+$0xC5B0]  }
0x1d8: {  	v62 =	vld [tilespmem:s17+$0xED30]  }
0x1d9: {  	v0 =	vld.idx.msk [tilespmem:v0+s10+$0x0], $0xffff;
	_ =	sdelay $0x4  }
0x1da: {  	v0 =	vmul.f32 v0, v62;
	_ =	sdelay $0x1  }
0x1db: {  	[tilespmem:v1+s11+$0x0] =	vst.idx.add.f32.msk $0xffff, v0  }
0x1dc: {  	v0 =	vld [tilespmem:s17+$0x9E40];
	_ =	sdelay $0x5  }
0x1dd: {  	v1 =	vld [tilespmem:s17+$0xC5C0]  }
0x1de: {  	v63 =	vld [tilespmem:s17+$0xED40]  }
0x1df: {  	v0 =	vld.idx.msk [tilespmem:v0+s10+$0x0], $0xffff;
	_ =	sdelay $0x1  }
0x1e0: {  	p0 =	sne.s32 s16, $0x9B00  }
.Ltmp5:
0x1e1: {  	_ = 	snop;
	(pc) =	sbr.rel @p0 .LBB2_12-.Ltmp5, $3  }
0x1e2: {  	_ = 	snop  }
0x1e3: {  	v0 =	vmul.f32 v0, v63;
	_ =	sdelay $0x1  }
0x1e4: {  	s16 =	sadd.s32 $0x140, s16;
	[tilespmem:v1+s11+$0x0] =	vst.idx.add.f32.msk $0xffff, v0  }
0x1e5: {  	s16 =	simm.s32 $0x0;
	s17 =	rddreg [dreg:$0xe]  }
0x1e6: {  	[tilespmem:s12], [sflag:$0x1] =	stream.linear.gather [hbm4b:s17+s16], $0x2710, $0x38;
	[tilespmem:$0x13C10] =	vst v63  }
0x1e7: {  	_ =	swait.ge [sflag:s8], $0x2710  }
0x1e8: {  	[sflag:s8] =	ssyncset.done $0x0  }
0x1e9: {  	s19 =	rddreg [dreg:$0xf];
	[sflag:s8] =	ssyncadd.s32 $0xFFFFD8F0  }
0x1ea: {  	[tilespmem:s13], [sflag:$0x1] =	stream.linear.gather [hbm4b:s19+s16], $0x2710, $0x38;
	[tilespmem:$0x13C10] =	vst v63  }
0x1eb: {  	_ =	swait.ge [sflag:s8], $0x2710  }
0x1ec: {  	[sflag:s8] =	ssyncset.done $0x0  }
0x1ed: {  	[sflag:s8] =	ssyncadd.s32 $0xFFFFD8F0  }
0x1ee: {  	[tilespmem:s14], [sflag:$0x1] =	stream.linear.gather [spmem:s5], $0x2710, $0x38;
	[tilespmem:$0x13C10] =	vst v63  }
0x1ef: {  	_ =	swait.ge [sflag:s8], $0x2710  }
0x1f0: {  	[sflag:s8] =	ssyncset.done $0x0  }
0x1f1: {  	[sflag:s8] =	ssyncadd.s32 $0xFFFFD8F0  }
.LBB2_14:
0x1f2: {  	s17 =	sshra.s32 s16, $0x2  }
0x1f3: {  	v0 =	vld [tilespmem:s17+$0x9E00];
	_ =	sdelay $0x5  }
0x1f4: {  	v1 =	vld [tilespmem:s17+$0xC580]  }
0x1f5: {  	v2 =	vld [tilespmem:s17+$0xED00]  }
0x1f6: {  	v0 =	vld.idx.msk [tilespmem:v0+s10+$0x0], $0xffff;
	_ =	sdelay $0x4  }
0x1f7: {  	v0 =	vmul.f32 v0, v2;
	_ =	sdelay $0x1  }
0x1f8: {  	[tilespmem:v1+s11+$0x0] =	vst.idx.add.f32.msk $0xffff, v0  }
0x1f9: {  	v0 =	vld [tilespmem:s17+$0x9E10];
	_ =	sdelay $0x5  }
0x1fa: {  	v1 =	vld [tilespmem:s17+$0xC590]  }
0x1fb: {  	v60 =	vld [tilespmem:s17+$0xED10]  }
0x1fc: {  	v0 =	vld.idx.msk [tilespmem:v0+s10+$0x0], $0xffff;
	_ =	sdelay $0x4  }
0x1fd: {  	v0 =	vmul.f32 v0, v60;
	_ =	sdelay $0x1  }
0x1fe: {  	[tilespmem:v1+s11+$0x0] =	vst.idx.add.f32.msk $0xffff, v0  }
0x1ff: {  	v0 =	vld [tilespmem:s17+$0x9E20];
	_ =	sdelay $0x5  }
0x200: {  	v1 =	vld [tilespmem:s17+$0xC5A0]  }
0x201: {  	v61 =	vld [tilespmem:s17+$0xED20]  }
0x202: {  	v0 =	vld.idx.msk [tilespmem:v0+s10+$0x0], $0xffff;
	_ =	sdelay $0x4  }
0x203: {  	v0 =	vmul.f32 v0, v61;
	_ =	sdelay $0x1  }
0x204: {  	[tilespmem:v1+s11+$0x0] =	vst.idx.add.f32.msk $0xffff, v0  }
0x205: {  	v0 =	vld [tilespmem:s17+$0x9E30];
	_ =	sdelay $0x5  }
0x206: {  	v1 =	vld [tilespmem:s17+$0xC5B0]  }
0x207: {  	v62 =	vld [tilespmem:s17+$0xED30]  }
0x208: {  	v0 =	vld.idx.msk [tilespmem:v0+s10+$0x0], $0xffff;
	_ =	sdelay $0x4  }
0x209: {  	v0 =	vmul.f32 v0, v62;
	_ =	sdelay $0x1  }
0x20a: {  	[tilespmem:v1+s11+$0x0] =	vst.idx.add.f32.msk $0xffff, v0  }
0x20b: {  	v0 =	vld [tilespmem:s17+$0x9E40];
	_ =	sdelay $0x5  }
0x20c: {  	v1 =	vld [tilespmem:s17+$0xC5C0]  }
0x20d: {  	v63 =	vld [tilespmem:s17+$0xED40]  }
0x20e: {  	v0 =	vld.idx.msk [tilespmem:v0+s10+$0x0], $0xffff;
	_ =	sdelay $0x1  }
0x20f: {  	p0 =	sne.s32 s16, $0x9B00  }
.Ltmp6:
0x210: {  	_ = 	snop;
	(pc) =	sbr.rel @p0 .LBB2_14-.Ltmp6, $3  }
0x211: {  	_ = 	snop  }
0x212: {  	v0 =	vmul.f32 v0, v63;
	_ =	sdelay $0x1  }
0x213: {  	s16 =	sadd.s32 $0x140, s16;
	[tilespmem:v1+s11+$0x0] =	vst.idx.add.f32.msk $0xffff, v0  }
0x214: {  	s16 =	simm.s32 $0x0;
	s17 =	rddreg [dreg:$0x10]  }
0x215: {  	[tilespmem:s12], [sflag:$0x1] =	stream.linear.gather [hbm4b:s17+s16], $0x2710, $0x38;
	[tilespmem:$0x13C10] =	vst v63  }
0x216: {  	_ =	swait.ge [sflag:s8], $0x2710  }
0x217: {  	[sflag:s8] =	ssyncset.done $0x0  }
0x218: {  	s19 =	rddreg [dreg:$0x11];
	[sflag:s8] =	ssyncadd.s32 $0xFFFFD8F0  }
0x219: {  	[tilespmem:s13], [sflag:$0x1] =	stream.linear.gather [hbm4b:s19+s16], $0x2710, $0x38;
	[tilespmem:$0x13C10] =	vst v63  }
0x21a: {  	_ =	swait.ge [sflag:s8], $0x2710  }
0x21b: {  	[sflag:s8] =	ssyncset.done $0x0  }
0x21c: {  	[sflag:s8] =	ssyncadd.s32 $0xFFFFD8F0  }
0x21d: {  	[tilespmem:s14], [sflag:$0x1] =	stream.linear.gather [spmem:s6], $0x2710, $0x38;
	[tilespmem:$0x13C10] =	vst v63  }
0x21e: {  	_ =	swait.ge [sflag:s8], $0x2710  }
0x21f: {  	[sflag:s8] =	ssyncset.done $0x0  }
0x220: {  	[sflag:s8] =	ssyncadd.s32 $0xFFFFD8F0  }
.LBB2_16:
0x221: {  	s17 =	sshra.s32 s16, $0x2  }
0x222: {  	v0 =	vld [tilespmem:s17+$0x9E00];
	_ =	sdelay $0x5  }
0x223: {  	v1 =	vld [tilespmem:s17+$0xC580]  }
0x224: {  	v2 =	vld [tilespmem:s17+$0xED00]  }
0x225: {  	v0 =	vld.idx.msk [tilespmem:v0+s10+$0x0], $0xffff;
	_ =	sdelay $0x4  }
0x226: {  	v0 =	vmul.f32 v0, v2;
	_ =	sdelay $0x1  }
0x227: {  	[tilespmem:v1+s11+$0x0] =	vst.idx.add.f32.msk $0xffff, v0  }
0x228: {  	v0 =	vld [tilespmem:s17+$0x9E10];
	_ =	sdelay $0x5  }
0x229: {  	v1 =	vld [tilespmem:s17+$0xC590]  }
0x22a: {  	v60 =	vld [tilespmem:s17+$0xED10]  }
0x22b: {  	v0 =	vld.idx.msk [tilespmem:v0+s10+$0x0], $0xffff;
	_ =	sdelay $0x4  }
0x22c: {  	v0 =	vmul.f32 v0, v60;
	_ =	sdelay $0x1  }
0x22d: {  	[tilespmem:v1+s11+$0x0] =	vst.idx.add.f32.msk $0xffff, v0  }
0x22e: {  	v0 =	vld [tilespmem:s17+$0x9E20];
	_ =	sdelay $0x5  }
0x22f: {  	v1 =	vld [tilespmem:s17+$0xC5A0]  }
0x230: {  	v61 =	vld [tilespmem:s17+$0xED20]  }
0x231: {  	v0 =	vld.idx.msk [tilespmem:v0+s10+$0x0], $0xffff;
	_ =	sdelay $0x4  }
0x232: {  	v0 =	vmul.f32 v0, v61;
	_ =	sdelay $0x1  }
0x233: {  	[tilespmem:v1+s11+$0x0] =	vst.idx.add.f32.msk $0xffff, v0  }
0x234: {  	v0 =	vld [tilespmem:s17+$0x9E30];
	_ =	sdelay $0x5  }
0x235: {  	v1 =	vld [tilespmem:s17+$0xC5B0]  }
0x236: {  	v62 =	vld [tilespmem:s17+$0xED30]  }
0x237: {  	v0 =	vld.idx.msk [tilespmem:v0+s10+$0x0], $0xffff;
	_ =	sdelay $0x4  }
0x238: {  	v0 =	vmul.f32 v0, v62;
	_ =	sdelay $0x1  }
0x239: {  	[tilespmem:v1+s11+$0x0] =	vst.idx.add.f32.msk $0xffff, v0  }
0x23a: {  	v0 =	vld [tilespmem:s17+$0x9E40];
	_ =	sdelay $0x5  }
0x23b: {  	v1 =	vld [tilespmem:s17+$0xC5C0]  }
0x23c: {  	v63 =	vld [tilespmem:s17+$0xED40]  }
0x23d: {  	v0 =	vld.idx.msk [tilespmem:v0+s10+$0x0], $0xffff;
	_ =	sdelay $0x1  }
0x23e: {  	p0 =	sne.s32 s16, $0x9B00  }
.Ltmp7:
0x23f: {  	_ = 	snop;
	(pc) =	sbr.rel @p0 .LBB2_16-.Ltmp7, $3  }
0x240: {  	_ = 	snop  }
0x241: {  	v0 =	vmul.f32 v0, v63;
	_ =	sdelay $0x1  }
0x242: {  	s16 =	sadd.s32 $0x140, s16;
	[tilespmem:v1+s11+$0x0] =	vst.idx.add.f32.msk $0xffff, v0  }
0x243: {  	s16 =	simm.s32 $0x0  }
0x244: {  	[tilespmem:s12], [sflag:$0x1] =	stream.linear.gather [hbm4b:s20+s16], $0x2710, $0x38;
	[tilespmem:$0x13C10] =	vst v63  }
0x245: {  	_ =	swait.ge [sflag:s8], $0x2710  }
0x246: {  	[sflag:s8] =	ssyncset.done $0x0  }
0x247: {  	[sflag:s8] =	ssyncadd.s32 $0xFFFFD8F0  }
0x248: {  	[tilespmem:s13], [sflag:$0x1] =	stream.linear.gather [hbm4b:s21+s16], $0x2710, $0x38;
	[tilespmem:$0x13C10] =	vst v63  }
0x249: {  	_ =	swait.ge [sflag:s8], $0x2710  }
0x24a: {  	[sflag:s8] =	ssyncset.done $0x0  }
0x24b: {  	[sflag:s8] =	ssyncadd.s32 $0xFFFFD8F0  }
0x24c: {  	[tilespmem:s14], [sflag:$0x1] =	stream.linear.gather [spmem:s7], $0x2710, $0x38;
	[tilespmem:$0x13C10] =	vst v63  }
0x24d: {  	_ =	swait.ge [sflag:s8], $0x2710  }
0x24e: {  	[sflag:s8] =	ssyncset.done $0x0  }
0x24f: {  	[sflag:s8] =	ssyncadd.s32 $0xFFFFD8F0  }
.LBB2_18:
0x250: {  	s17 =	sshra.s32 s16, $0x2  }
0x251: {  	v0 =	vld [tilespmem:s17+$0x9E00];
	_ =	sdelay $0x5  }
0x252: {  	v1 =	vld [tilespmem:s17+$0xC580]  }
0x253: {  	v2 =	vld [tilespmem:s17+$0xED00]  }
0x254: {  	v0 =	vld.idx.msk [tilespmem:v0+s10+$0x0], $0xffff;
	_ =	sdelay $0x4  }
0x255: {  	v0 =	vmul.f32 v0, v2;
	_ =	sdelay $0x1  }
0x256: {  	[tilespmem:v1+s11+$0x0] =	vst.idx.add.f32.msk $0xffff, v0  }
0x257: {  	v0 =	vld [tilespmem:s17+$0x9E10];
	_ =	sdelay $0x5  }
0x258: {  	v1 =	vld [tilespmem:s17+$0xC590]  }
0x259: {  	v60 =	vld [tilespmem:s17+$0xED10]  }
0x25a: {  	v0 =	vld.idx.msk [tilespmem:v0+s10+$0x0], $0xffff;
	_ =	sdelay $0x4  }
0x25b: {  	v0 =	vmul.f32 v0, v60;
	_ =	sdelay $0x1  }
0x25c: {  	[tilespmem:v1+s11+$0x0] =	vst.idx.add.f32.msk $0xffff, v0  }
0x25d: {  	v0 =	vld [tilespmem:s17+$0x9E20];
	_ =	sdelay $0x5  }
0x25e: {  	v1 =	vld [tilespmem:s17+$0xC5A0]  }
0x25f: {  	v61 =	vld [tilespmem:s17+$0xED20]  }
0x260: {  	v0 =	vld.idx.msk [tilespmem:v0+s10+$0x0], $0xffff;
	_ =	sdelay $0x4  }
0x261: {  	v0 =	vmul.f32 v0, v61;
	_ =	sdelay $0x1  }
0x262: {  	[tilespmem:v1+s11+$0x0] =	vst.idx.add.f32.msk $0xffff, v0  }
0x263: {  	v0 =	vld [tilespmem:s17+$0x9E30];
	_ =	sdelay $0x5  }
0x264: {  	v1 =	vld [tilespmem:s17+$0xC5B0]  }
0x265: {  	v62 =	vld [tilespmem:s17+$0xED30]  }
0x266: {  	v0 =	vld.idx.msk [tilespmem:v0+s10+$0x0], $0xffff;
	_ =	sdelay $0x4  }
0x267: {  	v0 =	vmul.f32 v0, v62;
	_ =	sdelay $0x1  }
0x268: {  	[tilespmem:v1+s11+$0x0] =	vst.idx.add.f32.msk $0xffff, v0  }
0x269: {  	v0 =	vld [tilespmem:s17+$0x9E40];
	_ =	sdelay $0x5  }
0x26a: {  	v1 =	vld [tilespmem:s17+$0xC5C0]  }
0x26b: {  	v63 =	vld [tilespmem:s17+$0xED40]  }
0x26c: {  	v0 =	vld.idx.msk [tilespmem:v0+s10+$0x0], $0xffff;
	_ =	sdelay $0x1  }
0x26d: {  	p0 =	sne.s32 s16, $0x9B00  }
.Ltmp8:
0x26e: {  	_ = 	snop;
	(pc) =	sbr.rel @p0 .LBB2_18-.Ltmp8, $3  }
0x26f: {  	_ = 	snop  }
0x270: {  	v0 =	vmul.f32 v0, v63;
	_ =	sdelay $0x1  }
0x271: {  	s16 =	sadd.s32 $0x140, s16;
	[tilespmem:v1+s11+$0x0] =	vst.idx.add.f32.msk $0xffff, v0  }
0x272: {  	[hbm4b:s28+s2] =	stream.linear.scatter [tilespmem:s11], [sflag:$0x1], $0x2710, $0x38;
	[tilespmem:$0x13C10] =	vst v63  }
0x273: {  	s15 =	sadd.s32 $0x1, s15;
	_ =	swait.ge [sflag:s8], $0x2710  }
0x274: {  	p0 =	sne.s32 s15, s30;
	[sflag:s8] =	ssyncset.done $0x0  }
.Ltmp9:
0x275: {  	s16 =	simm.s32 $0x11480;
	[sflag:s8] =	ssyncadd.s32 $0xFFFFD8F0;
	(pc) =	sbr.rel @p0 .LBB2_1-.Ltmp9, $4  }
0x276: {  	[hbm4b:s29+s2] =	stream.linear.scatter [tilespmem:s16], [sflag:$0x1], $0x10, $0x38;
	[tilespmem:$0x13C10] =	vst v63  }
0x277: {  	_ =	swait.ge [sflag:s8], $0x10  }
0x278: {  	[sflag:s8] =	ssyncset.done $0x0  }
0x279: {  	[sflag:s8] =	ssyncadd.s32 $0xFFFFFFF0  }
0x27a: {  	_ =	sfence.sel $0x180000  }
0x27b: {  	[bflag:$0x0] =	sbarrier.arrive $0xFFFF  }
0x27c: {  	_ =	strace $0x90000047  }
0x27d: {  	s0 =	stileid.u32;
	[bflag:$0x2] =	sbarrier.arrive $0xFFFF  }
0x27e: {  	p0 =	sne.s32 s0, $0x0;
	s0 =	rddreg [dreg:$0x3]  }
0x27f: {  	s0 =	sadd.s32 @!p0 $0x100000, s0  }
0x280: {  	[sflag:s0] =	ssyncadd.tile.s32 @!p0 $0x1;
	_ =	shalt  }
.Lfunc_end2:
_tile_overlayer_lowered:
.L_overlay_start_2:
0x281: {  	(tag) =	ssettag $0x2  }
0x282: {  	s0 =	rddreg [dreg:$0x0];
	s2 =	stileid.u32  }
0x283: {  	s1 =	rddreg [dreg:$0x1];
	p0 =	sne.s32 s2, $0x0  }
0x284: {  	s3 =	rddreg [dreg:$0x2];
	[bflag:$0x3] =	sbarrier.arrive $0xFFFF;
	s2 =	simm.s32 @!p0 $0x1C01  }
0x285: {  	[timem:s3], [sflag:s2] =	dma.local @!p0 [hbm:s0], s1  }
0x286: {  	s0 =	simm.s32 @!p0 $0x1  }
0x287: {  	_ =	swait.ge @!p0 [sflag:s0], s1  }
0x288: {  	s1 =	ssub.s32 @!p0 $0x0, s1;
	[sflag:s0] =	ssyncset.done @!p0 $0x0  }
0x289: {  	[sflag:s0] =	ssyncadd.s32 @!p0 s1  }
0x28a: {  	[bflag:$0x3] =	sbarrier.arrive $0xFFFF  }
0x28b: {  	_ =	shalt  }

</sc_bundles>
